<compile_context>
chip_gen: v7x
topology: tpu7x:2x2x1
jax: 0.10.2.dev20260603
libtpu: 0.0.44.dev20260713+nightly
codegen_flags: <defaults>
</compile_context>

<pallas_src>
import functools

import jax
import jax.numpy as jnp
from jax import lax
from jax.experimental import pallas as pl
from jax.experimental.pallas import tpu as pltpu
from jax.experimental.pallas import tpu_sc as plsc

_NC = 2
_NS = 16
_NW = _NC * _NS


def _sc_scatter_rows(sidx2, ord2, table):
    b_per_w = sidx2.shape[1]
    emb = table.shape[1]
    n_idx = _NW * b_per_w
    mesh = plsc.VectorSubcoreMesh(core_axis_name="c", subcore_axis_name="s")

    @functools.partial(
        pl.kernel,
        mesh=mesh,
        out_type=jax.ShapeDtypeStruct((n_idx, emb), jnp.float32),
        scratch_types=[
            pltpu.VMEM((b_per_w,), jnp.int32),
            pltpu.VMEM((b_per_w,), jnp.int32),
            pltpu.VMEM((1, emb), jnp.float32),
        ],
    )
    def kern(sidx_hbm, ord_hbm, table_hbm, out_hbm, idx_v, ord_v, row_v):
        wid = lax.axis_index("s") * _NC + lax.axis_index("c")
        pltpu.sync_copy(sidx_hbm.at[wid], idx_v)
        pltpu.sync_copy(ord_hbm.at[wid], ord_v)

        def body(j, prev):
            vec_i = idx_v[pl.ds(j * 16, 16)]
            vec_p = ord_v[pl.ds(j * 16, 16)]
            for l in range(16):
                v = vec_i[l]
                p = vec_p[l]

                @pl.when(v != prev)
                def _(v=v):
                    pltpu.sync_copy(table_hbm.at[pl.ds(v, 1)], row_v)

                pltpu.sync_copy(row_v, out_hbm.at[pl.ds(p, 1)])
                prev = v
            return prev

        lax.fori_loop(0, b_per_w // 16, body, jnp.int32(-1))

    return kern(sidx2, ord2, table)


def kernel(prefix, table):
    b, s = prefix.shape
    idxf = prefix.reshape(-1).astype(jnp.int32)
    order = jnp.argsort(idxf).astype(jnp.int32)
    sidx = jnp.take(idxf, order)
    out = _sc_scatter_rows(sidx.reshape(_NW, -1), order.reshape(_NW, -1), table)
    return out.reshape(b, s, table.shape[1])

# --- scband reference (transcript-rebuilt; emitter-appended) ---
"""Pipeline reference for scband-prefix-encoder-75144747811430 (READ-ONLY COPY).

The authoritative reference and input builder live on the scoring server;
editing this copy changes nothing except your own understanding.
"""

import jax, jax.numpy as jnp
import numpy as np

PRE_SEQ_LEN = 128
HIDDEN = 1024
LAYERS = 24
B = 32
EMB_DIM = LAYERS * 2 * HIDDEN  # 49152


def setup_inputs(seed: int = 0) -> dict:
    key = jax.random.key(seed)
    k1, k2 = jax.random.split(key)
    prefix = jax.random.randint(k1, (B, PRE_SEQ_LEN), 0, PRE_SEQ_LEN, dtype=jnp.int64 if jax.config.jax_enable_x64 else jnp.int32)
    table = jax.random.normal(k2, (PRE_SEQ_LEN, EMB_DIM), dtype=jnp.float32)
    return {"prefix": prefix, "table": table}


def reference(prefix, table):
    # prefix_projection=False path: past_key_values = embedding(prefix)
    past_key_values = jnp.take(table, prefix, axis=0)
    return past_key_values

if __name__ == "__main__":
    import jax
    _d = setup_inputs()
    print(jax.jit(kernel)(*tuple(_d.values())))

</pallas_src>

<mosaic_0001>
#map = affine_map<(d0, d1) -> (0, 0)>
module attributes {stable_mosaic.version = 14 : i64} {
  func.func @kern(%arg0: i32, %arg1: i32, %arg2: memref<32x128xi32, #tpu.memory_space<hbm>>, %arg3: memref<32x128xi32, #tpu.memory_space<hbm>>, %arg4: memref<128x49152xf32, #tpu.memory_space<hbm>>, %arg5: memref<4096x49152xf32, #tpu.memory_space<hbm>>, %arg6: memref<128xi32, #tpu.memory_space<vmem>>, %arg7: memref<128xi32, #tpu.memory_space<vmem>>, %arg8: memref<1x49152xf32, #tpu.memory_space<vmem>>) attributes {dimension_semantics = [#tpu.dimension_semantics<core_parallel>, #tpu.dimension_semantics<subcore_parallel>], iteration_bounds = array<i64: 2, 16>, scalar_prefetch = 0 : i64, scratch_operands = 3 : i64, tpu.core_type = #tpu.core_type<sc_vector_subcore>, window_params = [{transform_indices = #map}, {transform_indices = #map}, {transform_indices = #map}, {transform_indices = #map}]} {
    %mul3A = arith.constant 2 : i32
    %mul3A_0 = arith.muli %arg1, %mul3A : i32
    %add3A = arith.addi %mul3A_0, %arg0 : i32
    "tpu.region"() ({
      %run_scoped3A = tpu.sem_alloc : memref<!tpu.dma_semaphore, #tpu.memory_space<semaphore_mem>>
      %dma_start3A = arith.constant 0 : i32
      %dma_start3A_7 = tpu.memref_slice %arg2[%add3A, %dma_start3A] : memref<32x128xi32, #tpu.memory_space<hbm>> -> memref<1x128xi32, #tpu.memory_space<hbm>>
      %dma_start3A_8 = tpu.memref_squeeze %dma_start3A_7 : memref<1x128xi32, #tpu.memory_space<hbm>> -> memref<128xi32, #tpu.memory_space<hbm>>
      %dma_start3A_9 = arith.constant 0 : i32
      %dma_start3A_10 = tpu.memref_slice %arg2[%add3A, %dma_start3A_9] : memref<32x128xi32, #tpu.memory_space<hbm>> -> memref<1x128xi32, #tpu.memory_space<hbm>>
      %dma_start3A_11 = tpu.memref_squeeze %dma_start3A_10 : memref<1x128xi32, #tpu.memory_space<hbm>> -> memref<128xi32, #tpu.memory_space<hbm>>
      tpu.enqueue_dma source(%dma_start3A_11 : memref<128xi32, #tpu.memory_space<hbm>>) target(%arg6 : memref<128xi32, #tpu.memory_space<vmem>>) target_semaphore(%run_scoped3A : memref<!tpu.dma_semaphore, #tpu.memory_space<semaphore_mem>>)
      %dma_wait3A = arith.constant 0 : i32
      %dma_wait3A_12 = tpu.memref_slice %arg2[%add3A, %dma_wait3A] : memref<32x128xi32, #tpu.memory_space<hbm>> -> memref<1x128xi32, #tpu.memory_space<hbm>>
      %dma_wait3A_13 = tpu.memref_squeeze %dma_wait3A_12 : memref<1x128xi32, #tpu.memory_space<hbm>> -> memref<128xi32, #tpu.memory_space<hbm>>
      %dma_wait3A_14 = arith.constant 0 : i32
      %dma_wait3A_15 = tpu.memref_slice %arg2[%add3A, %dma_wait3A_14] : memref<32x128xi32, #tpu.memory_space<hbm>> -> memref<1x128xi32, #tpu.memory_space<hbm>>
      %dma_wait3A_16 = tpu.memref_squeeze %dma_wait3A_15 : memref<1x128xi32, #tpu.memory_space<hbm>> -> memref<128xi32, #tpu.memory_space<hbm>>
      tpu.wait_dma2 semaphore(%run_scoped3A : memref<!tpu.dma_semaphore, #tpu.memory_space<semaphore_mem>>) src(%dma_wait3A_16 : memref<128xi32, #tpu.memory_space<hbm>>) dst(%arg6 : memref<128xi32, #tpu.memory_space<vmem>>)
      tpu.yield
    }) : () -> ()
    "tpu.region"() ({
      %run_scoped3A = tpu.sem_alloc : memref<!tpu.dma_semaphore, #tpu.memory_space<semaphore_mem>>
      %dma_start3A = arith.constant 0 : i32
      %dma_start3A_7 = tpu.memref_slice %arg3[%add3A, %dma_start3A] : memref<32x128xi32, #tpu.memory_space<hbm>> -> memref<1x128xi32, #tpu.memory_space<hbm>>
      %dma_start3A_8 = tpu.memref_squeeze %dma_start3A_7 : memref<1x128xi32, #tpu.memory_space<hbm>> -> memref<128xi32, #tpu.memory_space<hbm>>
      %dma_start3A_9 = arith.constant 0 : i32
      %dma_start3A_10 = tpu.memref_slice %arg3[%add3A, %dma_start3A_9] : memref<32x128xi32, #tpu.memory_space<hbm>> -> memref<1x128xi32, #tpu.memory_space<hbm>>
      %dma_start3A_11 = tpu.memref_squeeze %dma_start3A_10 : memref<1x128xi32, #tpu.memory_space<hbm>> -> memref<128xi32, #tpu.memory_space<hbm>>
      tpu.enqueue_dma source(%dma_start3A_11 : memref<128xi32, #tpu.memory_space<hbm>>) target(%arg7 : memref<128xi32, #tpu.memory_space<vmem>>) target_semaphore(%run_scoped3A : memref<!tpu.dma_semaphore, #tpu.memory_space<semaphore_mem>>)
      %dma_wait3A = arith.constant 0 : i32
      %dma_wait3A_12 = tpu.memref_slice %arg3[%add3A, %dma_wait3A] : memref<32x128xi32, #tpu.memory_space<hbm>> -> memref<1x128xi32, #tpu.memory_space<hbm>>
      %dma_wait3A_13 = tpu.memref_squeeze %dma_wait3A_12 : memref<1x128xi32, #tpu.memory_space<hbm>> -> memref<128xi32, #tpu.memory_space<hbm>>
      %dma_wait3A_14 = arith.constant 0 : i32
      %dma_wait3A_15 = tpu.memref_slice %arg3[%add3A, %dma_wait3A_14] : memref<32x128xi32, #tpu.memory_space<hbm>> -> memref<1x128xi32, #tpu.memory_space<hbm>>
      %dma_wait3A_16 = tpu.memref_squeeze %dma_wait3A_15 : memref<1x128xi32, #tpu.memory_space<hbm>> -> memref<128xi32, #tpu.memory_space<hbm>>
      tpu.wait_dma2 semaphore(%run_scoped3A : memref<!tpu.dma_semaphore, #tpu.memory_space<semaphore_mem>>) src(%dma_wait3A_16 : memref<128xi32, #tpu.memory_space<hbm>>) dst(%arg7 : memref<128xi32, #tpu.memory_space<vmem>>)
      tpu.yield
    }) : () -> ()
    %scan3A = arith.constant -1 : i32
    %scan3A_1 = arith.constant 0 : i32
    %scan3A_2 = arith.constant 8 : i32
    %scan3A_3 = arith.addi %scan3A_1, %scan3A_2 : i32
    %scan3A_4 = arith.constant 1 : i32
    %scan3A_5 = scf.for %scan3A_7 = %scan3A_1 to %scan3A_3 step %scan3A_4 iter_args(%scan3A_8 = %scan3A) -> (i32)  : i32 {
      %mul3A_9 = arith.constant 16 : i32
      %mul3A_10 = arith.muli %scan3A_7, %mul3A_9 : i32
      %get3A = arith.index_cast %mul3A_10 : i32 to index
      %get3A_11 = tpu.vector_load %arg6[%get3A] {strides = array<i32>} : memref<128xi32, #tpu.memory_space<vmem>>, vector<16xi32>,
      %get3A_12 = vector.shape_cast %get3A_11 : vector<16xi32> to vector<16xi32>
      %mul3A_13 = arith.constant 16 : i32
      %mul3A_14 = arith.muli %scan3A_7, %mul3A_13 : i32
      %get3A_15 = arith.index_cast %mul3A_14 : i32 to index
      %get3A_16 = tpu.vector_load %arg7[%get3A_15] {strides = array<i32>} : memref<128xi32, #tpu.memory_space<vmem>>, vector<16xi32>,
      %get3A_17 = vector.shape_cast %get3A_16 : vector<16xi32> to vector<16xi32>
      %slice3A = vector.extract_strided_slice %get3A_12 {offsets = [0], sizes = [1], strides = [1]} : vector<16xi32> to vector<1xi32>
      %squeeze3A = vector.extract %slice3A[0] : i32 from vector<1xi32>
      %slice3A_18 = vector.extract_strided_slice %get3A_17 {offsets = [0], sizes = [1], strides = [1]} : vector<16xi32> to vector<1xi32>
      %squeeze3A_19 = vector.extract %slice3A_18[0] : i32 from vector<1xi32>
      %ne3A = arith.cmpi ne, %squeeze3A, %scan3A_8 : i32
      %convert_element_type3A = arith.extui %ne3A : i1 to i32
      %cond3A = arith.constant 0 : i32
      %cond3A_20 = arith.cmpi ne, %convert_element_type3A, %cond3A : i32
      scf.if %cond3A_20 {
        "tpu.region"() ({
          %run_scoped3A = tpu.sem_alloc : memref<!tpu.dma_semaphore, #tpu.memory_space<semaphore_mem>>
          %dma_start3A = arith.constant 0 : i32
          %dma_start3A_141 = tpu.memref_slice %arg4[%squeeze3A, %dma_start3A] : memref<128x49152xf32, #tpu.memory_space<hbm>> -> memref<1x49152xf32, #tpu.memory_space<hbm>>
          %dma_start3A_142 = arith.constant 0 : i32
          %dma_start3A_143 = tpu.memref_slice %arg4[%squeeze3A, %dma_start3A_142] : memref<128x49152xf32, #tpu.memory_space<hbm>> -> memref<1x49152xf32, #tpu.memory_space<hbm>>
          tpu.enqueue_dma source(%dma_start3A_143 : memref<1x49152xf32, #tpu.memory_space<hbm>>) target(%arg8 : memref<1x49152xf32, #tpu.memory_space<vmem>>) target_semaphore(%run_scoped3A : memref<!tpu.dma_semaphore, #tpu.memory_space<semaphore_mem>>)
          %dma_wait3A = arith.constant 0 : i32
          %dma_wait3A_144 = tpu.memref_slice %arg4[%squeeze3A, %dma_wait3A] : memref<128x49152xf32, #tpu.memory_space<hbm>> -> memref<1x49152xf32, #tpu.memory_space<hbm>>
          %dma_wait3A_145 = arith.constant 0 : i32
          %dma_wait3A_146 = tpu.memref_slice %arg4[%squeeze3A, %dma_wait3A_145] : memref<128x49152xf32, #tpu.memory_space<hbm>> -> memref<1x49152xf32, #tpu.memory_space<hbm>>
          tpu.wait_dma2 semaphore(%run_scoped3A : memref<!tpu.dma_semaphore, #tpu.memory_space<semaphore_mem>>) src(%dma_wait3A_146 : memref<1x49152xf32, #tpu.memory_space<hbm>>) dst(%arg8 : memref<1x49152xf32, #tpu.memory_space<vmem>>)
          tpu.yield
        }) : () -> ()
      } else {
      }
      "tpu.region"() ({
        %run_scoped3A = tpu.sem_alloc : memref<!tpu.dma_semaphore, #tpu.memory_space<semaphore_mem>>
        %dma_start3A = arith.constant 0 : i32
        %dma_start3A_141 = tpu.memref_slice %arg5[%squeeze3A_19, %dma_start3A] : memref<4096x49152xf32, #tpu.memory_space<hbm>> -> memref<1x49152xf32, #tpu.memory_space<hbm>>
        %dma_start3A_142 = arith.constant 0 : i32
        %dma_start3A_143 = tpu.memref_slice %arg5[%squeeze3A_19, %dma_start3A_142] : memref<4096x49152xf32, #tpu.memory_space<hbm>> -> memref<1x49152xf32, #tpu.memory_space<hbm>>
        tpu.enqueue_dma source(%arg8 : memref<1x49152xf32, #tpu.memory_space<vmem>>) target(%dma_start3A_143 : memref<1x49152xf32, #tpu.memory_space<hbm>>) target_semaphore(%run_scoped3A : memref<!tpu.dma_semaphore, #tpu.memory_space<semaphore_mem>>)
        %dma_wait3A = arith.constant 0 : i32
        %dma_wait3A_144 = tpu.memref_slice %arg5[%squeeze3A_19, %dma_wait3A] : memref<4096x49152xf32, #tpu.memory_space<hbm>> -> memref<1x49152xf32, #tpu.memory_space<hbm>>
        %dma_wait3A_145 = arith.constant 0 : i32
        %dma_wait3A_146 = tpu.memref_slice %arg5[%squeeze3A_19, %dma_wait3A_145] : memref<4096x49152xf32, #tpu.memory_space<hbm>> -> memref<1x49152xf32, #tpu.memory_space<hbm>>
        tpu.wait_dma2 semaphore(%run_scoped3A : memref<!tpu.dma_semaphore, #tpu.memory_space<semaphore_mem>>) src(%arg8 : memref<1x49152xf32, #tpu.memory_space<vmem>>) dst(%dma_wait3A_146 : memref<1x49152xf32, #tpu.memory_space<hbm>>)
        tpu.yield
      }) : () -> ()
      %slice3A_21 = vector.extract_strided_slice %get3A_12 {offsets = [1], sizes = [1], strides = [1]} : vector<16xi32> to vector<1xi32>
      %squeeze3A_22 = vector.extract %slice3A_21[0] : i32 from vector<1xi32>
      %slice3A_23 = vector.extract_strided_slice %get3A_17 {offsets = [1], sizes = [1], strides = [1]} : vector<16xi32> to vector<1xi32>
      %squeeze3A_24 = vector.extract %slice3A_23[0] : i32 from vector<1xi32>
      %ne3A_25 = arith.cmpi ne, %squeeze3A_22, %squeeze3A : i32
      %convert_element_type3A_26 = arith.extui %ne3A_25 : i1 to i32
      %cond3A_27 = arith.constant 0 : i32
      %cond3A_28 = arith.cmpi ne, %convert_element_type3A_26, %cond3A_27 : i32
      scf.if %cond3A_28 {
        "tpu.region"() ({
          %run_scoped3A = tpu.sem_alloc : memref<!tpu.dma_semaphore, #tpu.memory_space<semaphore_mem>>
          %dma_start3A = arith.constant 0 : i32
          %dma_start3A_141 = tpu.memref_slice %arg4[%squeeze3A_22, %dma_start3A] : memref<128x49152xf32, #tpu.memory_space<hbm>> -> memref<1x49152xf32, #tpu.memory_space<hbm>>
          %dma_start3A_142 = arith.constant 0 : i32
          %dma_start3A_143 = tpu.memref_slice %arg4[%squeeze3A_22, %dma_start3A_142] : memref<128x49152xf32, #tpu.memory_space<hbm>> -> memref<1x49152xf32, #tpu.memory_space<hbm>>
          tpu.enqueue_dma source(%dma_start3A_143 : memref<1x49152xf32, #tpu.memory_space<hbm>>) target(%arg8 : memref<1x49152xf32, #tpu.memory_space<vmem>>) target_semaphore(%run_scoped3A : memref<!tpu.dma_semaphore, #tpu.memory_space<semaphore_mem>>)
          %dma_wait3A = arith.constant 0 : i32
          %dma_wait3A_144 = tpu.memref_slice %arg4[%squeeze3A_22, %dma_wait3A] : memref<128x49152xf32, #tpu.memory_space<hbm>> -> memref<1x49152xf32, #tpu.memory_space<hbm>>
          %dma_wait3A_145 = arith.constant 0 : i32
          %dma_wait3A_146 = tpu.memref_slice %arg4[%squeeze3A_22, %dma_wait3A_145] : memref<128x49152xf32, #tpu.memory_space<hbm>> -> memref<1x49152xf32, #tpu.memory_space<hbm>>
          tpu.wait_dma2 semaphore(%run_scoped3A : memref<!tpu.dma_semaphore, #tpu.memory_space<semaphore_mem>>) src(%dma_wait3A_146 : memref<1x49152xf32, #tpu.memory_space<hbm>>) dst(%arg8 : memref<1x49152xf32, #tpu.memory_space<vmem>>)
          tpu.yield
        }) : () -> ()
      } else {
      }
      "tpu.region"() ({
        %run_scoped3A = tpu.sem_alloc : memref<!tpu.dma_semaphore, #tpu.memory_space<semaphore_mem>>
        %dma_start3A = arith.constant 0 : i32
        %dma_start3A_141 = tpu.memref_slice %arg5[%squeeze3A_24, %dma_start3A] : memref<4096x49152xf32, #tpu.memory_space<hbm>> -> memref<1x49152xf32, #tpu.memory_space<hbm>>
        %dma_start3A_142 = arith.constant 0 : i32
        %dma_start3A_143 = tpu.memref_slice %arg5[%squeeze3A_24, %dma_start3A_142] : memref<4096x49152xf32, #tpu.memory_space<hbm>> -> memref<1x49152xf32, #tpu.memory_space<hbm>>
        tpu.enqueue_dma source(%arg8 : memref<1x49152xf32, #tpu.memory_space<vmem>>) target(%dma_start3A_143 : memref<1x49152xf32, #tpu.memory_space<hbm>>) target_semaphore(%run_scoped3A : memref<!tpu.dma_semaphore, #tpu.memory_space<semaphore_mem>>)
        %dma_wait3A = arith.constant 0 : i32
        %dma_wait3A_144 = tpu.memref_slice %arg5[%squeeze3A_24, %dma_wait3A] : memref<4096x49152xf32, #tpu.memory_space<hbm>> -> memref<1x49152xf32, #tpu.memory_space<hbm>>
        %dma_wait3A_145 = arith.constant 0 : i32
        %dma_wait3A_146 = tpu.memref_slice %arg5[%squeeze3A_24, %dma_wait3A_145] : memref<4096x49152xf32, #tpu.memory_space<hbm>> -> memref<1x49152xf32, #tpu.memory_space<hbm>>
        tpu.wait_dma2 semaphore(%run_scoped3A : memref<!tpu.dma_semaphore, #tpu.memory_space<semaphore_mem>>) src(%arg8 : memref<1x49152xf32, #tpu.memory_space<vmem>>) dst(%dma_wait3A_146 : memref<1x49152xf32, #tpu.memory_space<hbm>>)
        tpu.yield
      }) : () -> ()
      %slice3A_29 = vector.extract_strided_slice %get3A_12 {offsets = [2], sizes = [1], strides = [1]} : vector<16xi32> to vector<1xi32>
      %squeeze3A_30 = vector.extract %slice3A_29[0] : i32 from vector<1xi32>
      %slice3A_31 = vector.extract_strided_slice %get3A_17 {offsets = [2], sizes = [1], strides = [1]} : vector<16xi32> to vector<1xi32>
      %squeeze3A_32 = vector.extract %slice3A_31[0] : i32 from vector<1xi32>
      %ne3A_33 = arith.cmpi ne, %squeeze3A_30, %squeeze3A_22 : i32
      %convert_element_type3A_34 = arith.extui %ne3A_33 : i1 to i32
      %cond3A_35 = arith.constant 0 : i32
      %cond3A_36 = arith.cmpi ne, %convert_element_type3A_34, %cond3A_35 : i32
      scf.if %cond3A_36 {
        "tpu.region"() ({
          %run_scoped3A = tpu.sem_alloc : memref<!tpu.dma_semaphore, #tpu.memory_space<semaphore_mem>>
          %dma_start3A = arith.constant 0 : i32
          %dma_start3A_141 = tpu.memref_slice %arg4[%squeeze3A_30, %dma_start3A] : memref<128x49152xf32, #tpu.memory_space<hbm>> -> memref<1x49152xf32, #tpu.memory_space<hbm>>
          %dma_start3A_142 = arith.constant 0 : i32
          %dma_start3A_143 = tpu.memref_slice %arg4[%squeeze3A_30, %dma_start3A_142] : memref<128x49152xf32, #tpu.memory_space<hbm>> -> memref<1x49152xf32, #tpu.memory_space<hbm>>
          tpu.enqueue_dma source(%dma_start3A_143 : memref<1x49152xf32, #tpu.memory_space<hbm>>) target(%arg8 : memref<1x49152xf32, #tpu.memory_space<vmem>>) target_semaphore(%run_scoped3A : memref<!tpu.dma_semaphore, #tpu.memory_space<semaphore_mem>>)
          %dma_wait3A = arith.constant 0 : i32
          %dma_wait3A_144 = tpu.memref_slice %arg4[%squeeze3A_30, %dma_wait3A] : memref<128x49152xf32, #tpu.memory_space<hbm>> -> memref<1x49152xf32, #tpu.memory_space<hbm>>
          %dma_wait3A_145 = arith.constant 0 : i32
          %dma_wait3A_146 = tpu.memref_slice %arg4[%squeeze3A_30, %dma_wait3A_145] : memref<128x49152xf32, #tpu.memory_space<hbm>> -> memref<1x49152xf32, #tpu.memory_space<hbm>>
          tpu.wait_dma2 semaphore(%run_scoped3A : memref<!tpu.dma_semaphore, #tpu.memory_space<semaphore_mem>>) src(%dma_wait3A_146 : memref<1x49152xf32, #tpu.memory_space<hbm>>) dst(%arg8 : memref<1x49152xf32, #tpu.memory_space<vmem>>)
          tpu.yield
        }) : () -> ()
      } else {
      }
      "tpu.region"() ({
        %run_scoped3A = tpu.sem_alloc : memref<!tpu.dma_semaphore, #tpu.memory_space<semaphore_mem>>
        %dma_start3A = arith.constant 0 : i32
        %dma_start3A_141 = tpu.memref_slice %arg5[%squeeze3A_32, %dma_start3A] : memref<4096x49152xf32, #tpu.memory_space<hbm>> -> memref<1x49152xf32, #tpu.memory_space<hbm>>
        %dma_start3A_142 = arith.constant 0 : i32
        %dma_start3A_143 = tpu.memref_slice %arg5[%squeeze3A_32, %dma_start3A_142] : memref<4096x49152xf32, #tpu.memory_space<hbm>> -> memref<1x49152xf32, #tpu.memory_space<hbm>>
        tpu.enqueue_dma source(%arg8 : memref<1x49152xf32, #tpu.memory_space<vmem>>) target(%dma_start3A_143 : memref<1x49152xf32, #tpu.memory_space<hbm>>) target_semaphore(%run_scoped3A : memref<!tpu.dma_semaphore, #tpu.memory_space<semaphore_mem>>)
        %dma_wait3A = arith.constant 0 : i32
        %dma_wait3A_144 = tpu.memref_slice %arg5[%squeeze3A_32, %dma_wait3A] : memref<4096x49152xf32, #tpu.memory_space<hbm>> -> memref<1x49152xf32, #tpu.memory_space<hbm>>
        %dma_wait3A_145 = arith.constant 0 : i32
        %dma_wait3A_146 = tpu.memref_slice %arg5[%squeeze3A_32, %dma_wait3A_145] : memref<4096x49152xf32, #tpu.memory_space<hbm>> -> memref<1x49152xf32, #tpu.memory_space<hbm>>
        tpu.wait_dma2 semaphore(%run_scoped3A : memref<!tpu.dma_semaphore, #tpu.memory_space<semaphore_mem>>) src(%arg8 : memref<1x49152xf32, #tpu.memory_space<vmem>>) dst(%dma_wait3A_146 : memref<1x49152xf32, #tpu.memory_space<hbm>>)
        tpu.yield
      }) : () -> ()
      %slice3A_37 = vector.extract_strided_slice %get3A_12 {offsets = [3], sizes = [1], strides = [1]} : vector<16xi32> to vector<1xi32>
      %squeeze3A_38 = vector.extract %slice3A_37[0] : i32 from vector<1xi32>
      %slice3A_39 = vector.extract_strided_slice %get3A_17 {offsets = [3], sizes = [1], strides = [1]} : vector<16xi32> to vector<1xi32>
      %squeeze3A_40 = vector.extract %slice3A_39[0] : i32 from vector<1xi32>
      %ne3A_41 = arith.cmpi ne, %squeeze3A_38, %squeeze3A_30 : i32
      %convert_element_type3A_42 = arith.extui %ne3A_41 : i1 to i32
      %cond3A_43 = arith.constant 0 : i32
      %cond3A_44 = arith.cmpi ne, %convert_element_type3A_42, %cond3A_43 : i32
      scf.if %cond3A_44 {
        "tpu.region"() ({
          %run_scoped3A = tpu.sem_alloc : memref<!tpu.dma_semaphore, #tpu.memory_space<semaphore_mem>>
          %dma_start3A = arith.constant 0 : i32
          %dma_start3A_141 = tpu.memref_slice %arg4[%squeeze3A_38, %dma_start3A] : memref<128x49152xf32, #tpu.memory_space<hbm>> -> memref<1x49152xf32, #tpu.memory_space<hbm>>
          %dma_start3A_142 = arith.constant 0 : i32
          %dma_start3A_143 = tpu.memref_slice %arg4[%squeeze3A_38, %dma_start3A_142] : memref<128x49152xf32, #tpu.memory_space<hbm>> -> memref<1x49152xf32, #tpu.memory_space<hbm>>
          tpu.enqueue_dma source(%dma_start3A_143 : memref<1x49152xf32, #tpu.memory_space<hbm>>) target(%arg8 : memref<1x49152xf32, #tpu.memory_space<vmem>>) target_semaphore(%run_scoped3A : memref<!tpu.dma_semaphore, #tpu.memory_space<semaphore_mem>>)
          %dma_wait3A = arith.constant 0 : i32
          %dma_wait3A_144 = tpu.memref_slice %arg4[%squeeze3A_38, %dma_wait3A] : memref<128x49152xf32, #tpu.memory_space<hbm>> -> memref<1x49152xf32, #tpu.memory_space<hbm>>
          %dma_wait3A_145 = arith.constant 0 : i32
          %dma_wait3A_146 = tpu.memref_slice %arg4[%squeeze3A_38, %dma_wait3A_145] : memref<128x49152xf32, #tpu.memory_space<hbm>> -> memref<1x49152xf32, #tpu.memory_space<hbm>>
          tpu.wait_dma2 semaphore(%run_scoped3A : memref<!tpu.dma_semaphore, #tpu.memory_space<semaphore_mem>>) src(%dma_wait3A_146 : memref<1x49152xf32, #tpu.memory_space<hbm>>) dst(%arg8 : memref<1x49152xf32, #tpu.memory_space<vmem>>)
          tpu.yield
        }) : () -> ()
      } else {
      }
      "tpu.region"() ({
        %run_scoped3A = tpu.sem_alloc : memref<!tpu.dma_semaphore, #tpu.memory_space<semaphore_mem>>
        %dma_start3A = arith.constant 0 : i32
        %dma_start3A_141 = tpu.memref_slice %arg5[%squeeze3A_40, %dma_start3A] : memref<4096x49152xf32, #tpu.memory_space<hbm>> -> memref<1x49152xf32, #tpu.memory_space<hbm>>
        %dma_start3A_142 = arith.constant 0 : i32
        %dma_start3A_143 = tpu.memref_slice %arg5[%squeeze3A_40, %dma_start3A_142] : memref<4096x49152xf32, #tpu.memory_space<hbm>> -> memref<1x49152xf32, #tpu.memory_space<hbm>>
        tpu.enqueue_dma source(%arg8 : memref<1x49152xf32, #tpu.memory_space<vmem>>) target(%dma_start3A_143 : memref<1x49152xf32, #tpu.memory_space<hbm>>) target_semaphore(%run_scoped3A : memref<!tpu.dma_semaphore, #tpu.memory_space<semaphore_mem>>)
        %dma_wait3A = arith.constant 0 : i32
        %dma_wait3A_144 = tpu.memref_slice %arg5[%squeeze3A_40, %dma_wait3A] : memref<4096x49152xf32, #tpu.memory_space<hbm>> -> memref<1x49152xf32, #tpu.memory_space<hbm>>
        %dma_wait3A_145 = arith.constant 0 : i32
        %dma_wait3A_146 = tpu.memref_slice %arg5[%squeeze3A_40, %dma_wait3A_145] : memref<4096x49152xf32, #tpu.memory_space<hbm>> -> memref<1x49152xf32, #tpu.memory_space<hbm>>
        tpu.wait_dma2 semaphore(%run_scoped3A : memref<!tpu.dma_semaphore, #tpu.memory_space<semaphore_mem>>) src(%arg8 : memref<1x49152xf32, #tpu.memory_space<vmem>>) dst(%dma_wait3A_146 : memref<1x49152xf32, #tpu.memory_space<hbm>>)
        tpu.yield
      }) : () -> ()
      %slice3A_45 = vector.extract_strided_slice %get3A_12 {offsets = [4], sizes = [1], strides = [1]} : vector<16xi32> to vector<1xi32>
      %squeeze3A_46 = vector.extract %slice3A_45[0] : i32 from vector<1xi32>
      %slice3A_47 = vector.extract_strided_slice %get3A_17 {offsets = [4], sizes = [1], strides = [1]} : vector<16xi32> to vector<1xi32>
      %squeeze3A_48 = vector.extract %slice3A_47[0] : i32 from vector<1xi32>
      %ne3A_49 = arith.cmpi ne, %squeeze3A_46, %squeeze3A_38 : i32
      %convert_element_type3A_50 = arith.extui %ne3A_49 : i1 to i32
      %cond3A_51 = arith.constant 0 : i32
      %cond3A_52 = arith.cmpi ne, %convert_element_type3A_50, %cond3A_51 : i32
      scf.if %cond3A_52 {
        "tpu.region"() ({
          %run_scoped3A = tpu.sem_alloc : memref<!tpu.dma_semaphore, #tpu.memory_space<semaphore_mem>>
          %dma_start3A = arith.constant 0 : i32
          %dma_start3A_141 = tpu.memref_slice %arg4[%squeeze3A_46, %dma_start3A] : memref<128x49152xf32, #tpu.memory_space<hbm>> -> memref<1x49152xf32, #tpu.memory_space<hbm>>
          %dma_start3A_142 = arith.constant 0 : i32
          %dma_start3A_143 = tpu.memref_slice %arg4[%squeeze3A_46, %dma_start3A_142] : memref<128x49152xf32, #tpu.memory_space<hbm>> -> memref<1x49152xf32, #tpu.memory_space<hbm>>
          tpu.enqueue_dma source(%dma_start3A_143 : memref<1x49152xf32, #tpu.memory_space<hbm>>) target(%arg8 : memref<1x49152xf32, #tpu.memory_space<vmem>>) target_semaphore(%run_scoped3A : memref<!tpu.dma_semaphore, #tpu.memory_space<semaphore_mem>>)
          %dma_wait3A = arith.constant 0 : i32
          %dma_wait3A_144 = tpu.memref_slice %arg4[%squeeze3A_46, %dma_wait3A] : memref<128x49152xf32, #tpu.memory_space<hbm>> -> memref<1x49152xf32, #tpu.memory_space<hbm>>
          %dma_wait3A_145 = arith.constant 0 : i32
          %dma_wait3A_146 = tpu.memref_slice %arg4[%squeeze3A_46, %dma_wait3A_145] : memref<128x49152xf32, #tpu.memory_space<hbm>> -> memref<1x49152xf32, #tpu.memory_space<hbm>>
          tpu.wait_dma2 semaphore(%run_scoped3A : memref<!tpu.dma_semaphore, #tpu.memory_space<semaphore_mem>>) src(%dma_wait3A_146 : memref<1x49152xf32, #tpu.memory_space<hbm>>) dst(%arg8 : memref<1x49152xf32, #tpu.memory_space<vmem>>)
          tpu.yield
        }) : () -> ()
      } else {
      }
      "tpu.region"() ({
        %run_scoped3A = tpu.sem_alloc : memref<!tpu.dma_semaphore, #tpu.memory_space<semaphore_mem>>
        %dma_start3A = arith.constant 0 : i32
        %dma_start3A_141 = tpu.memref_slice %arg5[%squeeze3A_48, %dma_start3A] : memref<4096x49152xf32, #tpu.memory_space<hbm>> -> memref<1x49152xf32, #tpu.memory_space<hbm>>
        %dma_start3A_142 = arith.constant 0 : i32
        %dma_start3A_143 = tpu.memref_slice %arg5[%squeeze3A_48, %dma_start3A_142] : memref<4096x49152xf32, #tpu.memory_space<hbm>> -> memref<1x49152xf32, #tpu.memory_space<hbm>>
        tpu.enqueue_dma source(%arg8 : memref<1x49152xf32, #tpu.memory_space<vmem>>) target(%dma_start3A_143 : memref<1x49152xf32, #tpu.memory_space<hbm>>) target_semaphore(%run_scoped3A : memref<!tpu.dma_semaphore, #tpu.memory_space<semaphore_mem>>)
        %dma_wait3A = arith.constant 0 : i32
        %dma_wait3A_144 = tpu.memref_slice %arg5[%squeeze3A_48, %dma_wait3A] : memref<4096x49152xf32, #tpu.memory_space<hbm>> -> memref<1x49152xf32, #tpu.memory_space<hbm>>
        %dma_wait3A_145 = arith.constant 0 : i32
        %dma_wait3A_146 = tpu.memref_slice %arg5[%squeeze3A_48, %dma_wait3A_145] : memref<4096x49152xf32, #tpu.memory_space<hbm>> -> memref<1x49152xf32, #tpu.memory_space<hbm>>
        tpu.wait_dma2 semaphore(%run_scoped3A : memref<!tpu.dma_semaphore, #tpu.memory_space<semaphore_mem>>) src(%arg8 : memref<1x49152xf32, #tpu.memory_space<vmem>>) dst(%dma_wait3A_146 : memref<1x49152xf32, #tpu.memory_space<hbm>>)
        tpu.yield
      }) : () -> ()
      %slice3A_53 = vector.extract_strided_slice %get3A_12 {offsets = [5], sizes = [1], strides = [1]} : vector<16xi32> to vector<1xi32>
      %squeeze3A_54 = vector.extract %slice3A_53[0] : i32 from vector<1xi32>
      %slice3A_55 = vector.extract_strided_slice %get3A_17 {offsets = [5], sizes = [1], strides = [1]} : vector<16xi32> to vector<1xi32>
      %squeeze3A_56 = vector.extract %slice3A_55[0] : i32 from vector<1xi32>
      %ne3A_57 = arith.cmpi ne, %squeeze3A_54, %squeeze3A_46 : i32
      %convert_element_type3A_58 = arith.extui %ne3A_57 : i1 to i32
      %cond3A_59 = arith.constant 0 : i32
      %cond3A_60 = arith.cmpi ne, %convert_element_type3A_58, %cond3A_59 : i32
      scf.if %cond3A_60 {
        "tpu.region"() ({
          %run_scoped3A = tpu.sem_alloc : memref<!tpu.dma_semaphore, #tpu.memory_space<semaphore_mem>>
          %dma_start3A = arith.constant 0 : i32
          %dma_start3A_141 = tpu.memref_slice %arg4[%squeeze3A_54, %dma_start3A] : memref<128x49152xf32, #tpu.memory_space<hbm>> -> memref<1x49152xf32, #tpu.memory_space<hbm>>
          %dma_start3A_142 = arith.constant 0 : i32
          %dma_start3A_143 = tpu.memref_slice %arg4[%squeeze3A_54, %dma_start3A_142] : memref<128x49152xf32, #tpu.memory_space<hbm>> -> memref<1x49152xf32, #tpu.memory_space<hbm>>
          tpu.enqueue_dma source(%dma_start3A_143 : memref<1x49152xf32, #tpu.memory_space<hbm>>) target(%arg8 : memref<1x49152xf32, #tpu.memory_space<vmem>>) target_semaphore(%run_scoped3A : memref<!tpu.dma_semaphore, #tpu.memory_space<semaphore_mem>>)
          %dma_wait3A = arith.constant 0 : i32
          %dma_wait3A_144 = tpu.memref_slice %arg4[%squeeze3A_54, %dma_wait3A] : memref<128x49152xf32, #tpu.memory_space<hbm>> -> memref<1x49152xf32, #tpu.memory_space<hbm>>
          %dma_wait3A_145 = arith.constant 0 : i32
          %dma_wait3A_146 = tpu.memref_slice %arg4[%squeeze3A_54, %dma_wait3A_145] : memref<128x49152xf32, #tpu.memory_space<hbm>> -> memref<1x49152xf32, #tpu.memory_space<hbm>>
          tpu.wait_dma2 semaphore(%run_scoped3A : memref<!tpu.dma_semaphore, #tpu.memory_space<semaphore_mem>>) src(%dma_wait3A_146 : memref<1x49152xf32, #tpu.memory_space<hbm>>) dst(%arg8 : memref<1x49152xf32, #tpu.memory_space<vmem>>)
          tpu.yield
        }) : () -> ()
      } else {
      }
      "tpu.region"() ({
        %run_scoped3A = tpu.sem_alloc : memref<!tpu.dma_semaphore, #tpu.memory_space<semaphore_mem>>
        %dma_start3A = arith.constant 0 : i32
        %dma_start3A_141 = tpu.memref_slice %arg5[%squeeze3A_56, %dma_start3A] : memref<4096x49152xf32, #tpu.memory_space<hbm>> -> memref<1x49152xf32, #tpu.memory_space<hbm>>
        %dma_start3A_142 = arith.constant 0 : i32
        %dma_start3A_143 = tpu.memref_slice %arg5[%squeeze3A_56, %dma_start3A_142] : memref<4096x49152xf32, #tpu.memory_space<hbm>> -> memref<1x49152xf32, #tpu.memory_space<hbm>>
        tpu.enqueue_dma source(%arg8 : memref<1x49152xf32, #tpu.memory_space<vmem>>) target(%dma_start3A_143 : memref<1x49152xf32, #tpu.memory_space<hbm>>) target_semaphore(%run_scoped3A : memref<!tpu.dma_semaphore, #tpu.memory_space<semaphore_mem>>)
        %dma_wait3A = arith.constant 0 : i32
        %dma_wait3A_144 = tpu.memref_slice %arg5[%squeeze3A_56, %dma_wait3A] : memref<4096x49152xf32, #tpu.memory_space<hbm>> -> memref<1x49152xf32, #tpu.memory_space<hbm>>
        %dma_wait3A_145 = arith.constant 0 : i32
        %dma_wait3A_146 = tpu.memref_slice %arg5[%squeeze3A_56, %dma_wait3A_145] : memref<4096x49152xf32, #tpu.memory_space<hbm>> -> memref<1x49152xf32, #tpu.memory_space<hbm>>
        tpu.wait_dma2 semaphore(%run_scoped3A : memref<!tpu.dma_semaphore, #tpu.memory_space<semaphore_mem>>) src(%arg8 : memref<1x49152xf32, #tpu.memory_space<vmem>>) dst(%dma_wait3A_146 : memref<1x49152xf32, #tpu.memory_space<hbm>>)
        tpu.yield
      }) : () -> ()
      %slice3A_61 = vector.extract_strided_slice %get3A_12 {offsets = [6], sizes = [1], strides = [1]} : vector<16xi32> to vector<1xi32>
      %squeeze3A_62 = vector.extract %slice3A_61[0] : i32 from vector<1xi32>
      %slice3A_63 = vector.extract_strided_slice %get3A_17 {offsets = [6], sizes = [1], strides = [1]} : vector<16xi32> to vector<1xi32>
      %squeeze3A_64 = vector.extract %slice3A_63[0] : i32 from vector<1xi32>
      %ne3A_65 = arith.cmpi ne, %squeeze3A_62, %squeeze3A_54 : i32
      %convert_element_type3A_66 = arith.extui %ne3A_65 : i1 to i32
      %cond3A_67 = arith.constant 0 : i32
      %cond3A_68 = arith.cmpi ne, %convert_element_type3A_66, %cond3A_67 : i32
      scf.if %cond3A_68 {
        "tpu.region"() ({
          %run_scoped3A = tpu.sem_alloc : memref<!tpu.dma_semaphore, #tpu.memory_space<semaphore_mem>>
          %dma_start3A = arith.constant 0 : i32
          %dma_start3A_141 = tpu.memref_slice %arg4[%squeeze3A_62, %dma_start3A] : memref<128x49152xf32, #tpu.memory_space<hbm>> -> memref<1x49152xf32, #tpu.memory_space<hbm>>
          %dma_start3A_142 = arith.constant 0 : i32
          %dma_start3A_143 = tpu.memref_slice %arg4[%squeeze3A_62, %dma_start3A_142] : memref<128x49152xf32, #tpu.memory_space<hbm>> -> memref<1x49152xf32, #tpu.memory_space<hbm>>
          tpu.enqueue_dma source(%dma_start3A_143 : memref<1x49152xf32, #tpu.memory_space<hbm>>) target(%arg8 : memref<1x49152xf32, #tpu.memory_space<vmem>>) target_semaphore(%run_scoped3A : memref<!tpu.dma_semaphore, #tpu.memory_space<semaphore_mem>>)
          %dma_wait3A = arith.constant 0 : i32
          %dma_wait3A_144 = tpu.memref_slice %arg4[%squeeze3A_62, %dma_wait3A] : memref<128x49152xf32, #tpu.memory_space<hbm>> -> memref<1x49152xf32, #tpu.memory_space<hbm>>
          %dma_wait3A_145 = arith.constant 0 : i32
          %dma_wait3A_146 = tpu.memref_slice %arg4[%squeeze3A_62, %dma_wait3A_145] : memref<128x49152xf32, #tpu.memory_space<hbm>> -> memref<1x49152xf32, #tpu.memory_space<hbm>>
          tpu.wait_dma2 semaphore(%run_scoped3A : memref<!tpu.dma_semaphore, #tpu.memory_space<semaphore_mem>>) src(%dma_wait3A_146 : memref<1x49152xf32, #tpu.memory_space<hbm>>) dst(%arg8 : memref<1x49152xf32, #tpu.memory_space<vmem>>)
          tpu.yield
        }) : () -> ()
      } else {
      }
      "tpu.region"() ({
        %run_scoped3A = tpu.sem_alloc : memref<!tpu.dma_semaphore, #tpu.memory_space<semaphore_mem>>
        %dma_start3A = arith.constant 0 : i32
        %dma_start3A_141 = tpu.memref_slice %arg5[%squeeze3A_64, %dma_start3A] : memref<4096x49152xf32, #tpu.memory_space<hbm>> -> memref<1x49152xf32, #tpu.memory_space<hbm>>
        %dma_start3A_142 = arith.constant 0 : i32
        %dma_start3A_143 = tpu.memref_slice %arg5[%squeeze3A_64, %dma_start3A_142] : memref<4096x49152xf32, #tpu.memory_space<hbm>> -> memref<1x49152xf32, #tpu.memory_space<hbm>>
        tpu.enqueue_dma source(%arg8 : memref<1x49152xf32, #tpu.memory_space<vmem>>) target(%dma_start3A_143 : memref<1x49152xf32, #tpu.memory_space<hbm>>) target_semaphore(%run_scoped3A : memref<!tpu.dma_semaphore, #tpu.memory_space<semaphore_mem>>)
        %dma_wait3A = arith.constant 0 : i32
        %dma_wait3A_144 = tpu.memref_slice %arg5[%squeeze3A_64, %dma_wait3A] : memref<4096x49152xf32, #tpu.memory_space<hbm>> -> memref<1x49152xf32, #tpu.memory_space<hbm>>
        %dma_wait3A_145 = arith.constant 0 : i32
        %dma_wait3A_146 = tpu.memref_slice %arg5[%squeeze3A_64, %dma_wait3A_145] : memref<4096x49152xf32, #tpu.memory_space<hbm>> -> memref<1x49152xf32, #tpu.memory_space<hbm>>
        tpu.wait_dma2 semaphore(%run_scoped3A : memref<!tpu.dma_semaphore, #tpu.memory_space<semaphore_mem>>) src(%arg8 : memref<1x49152xf32, #tpu.memory_space<vmem>>) dst(%dma_wait3A_146 : memref<1x49152xf32, #tpu.memory_space<hbm>>)
        tpu.yield
      }) : () -> ()
      %slice3A_69 = vector.extract_strided_slice %get3A_12 {offsets = [7], sizes = [1], strides = [1]} : vector<16xi32> to vector<1xi32>
      %squeeze3A_70 = vector.extract %slice3A_69[0] : i32 from vector<1xi32>
      %slice3A_71 = vector.extract_strided_slice %get3A_17 {offsets = [7], sizes = [1], strides = [1]} : vector<16xi32> to vector<1xi32>
      %squeeze3A_72 = vector.extract %slice3A_71[0] : i32 from vector<1xi32>
      %ne3A_73 = arith.cmpi ne, %squeeze3A_70, %squeeze3A_62 : i32
      %convert_element_type3A_74 = arith.extui %ne3A_73 : i1 to i32
      %cond3A_75 = arith.constant 0 : i32
      %cond3A_76 = arith.cmpi ne, %convert_element_type3A_74, %cond3A_75 : i32
      scf.if %cond3A_76 {
        "tpu.region"() ({
          %run_scoped3A = tpu.sem_alloc : memref<!tpu.dma_semaphore, #tpu.memory_space<semaphore_mem>>
          %dma_start3A = arith.constant 0 : i32
          %dma_start3A_141 = tpu.memref_slice %arg4[%squeeze3A_70, %dma_start3A] : memref<128x49152xf32, #tpu.memory_space<hbm>> -> memref<1x49152xf32, #tpu.memory_space<hbm>>
          %dma_start3A_142 = arith.constant 0 : i32
          %dma_start3A_143 = tpu.memref_slice %arg4[%squeeze3A_70, %dma_start3A_142] : memref<128x49152xf32, #tpu.memory_space<hbm>> -> memref<1x49152xf32, #tpu.memory_space<hbm>>
          tpu.enqueue_dma source(%dma_start3A_143 : memref<1x49152xf32, #tpu.memory_space<hbm>>) target(%arg8 : memref<1x49152xf32, #tpu.memory_space<vmem>>) target_semaphore(%run_scoped3A : memref<!tpu.dma_semaphore, #tpu.memory_space<semaphore_mem>>)
          %dma_wait3A = arith.constant 0 : i32
          %dma_wait3A_144 = tpu.memref_slice %arg4[%squeeze3A_70, %dma_wait3A] : memref<128x49152xf32, #tpu.memory_space<hbm>> -> memref<1x49152xf32, #tpu.memory_space<hbm>>
          %dma_wait3A_145 = arith.constant 0 : i32
          %dma_wait3A_146 = tpu.memref_slice %arg4[%squeeze3A_70, %dma_wait3A_145] : memref<128x49152xf32, #tpu.memory_space<hbm>> -> memref<1x49152xf32, #tpu.memory_space<hbm>>
          tpu.wait_dma2 semaphore(%run_scoped3A : memref<!tpu.dma_semaphore, #tpu.memory_space<semaphore_mem>>) src(%dma_wait3A_146 : memref<1x49152xf32, #tpu.memory_space<hbm>>) dst(%arg8 : memref<1x49152xf32, #tpu.memory_space<vmem>>)
          tpu.yield
        }) : () -> ()
      } else {
      }
      "tpu.region"() ({
        %run_scoped3A = tpu.sem_alloc : memref<!tpu.dma_semaphore, #tpu.memory_space<semaphore_mem>>
        %dma_start3A = arith.constant 0 : i32
        %dma_start3A_141 = tpu.memref_slice %arg5[%squeeze3A_72, %dma_start3A] : memref<4096x49152xf32, #tpu.memory_space<hbm>> -> memref<1x49152xf32, #tpu.memory_space<hbm>>
        %dma_start3A_142 = arith.constant 0 : i32
        %dma_start3A_143 = tpu.memref_slice %arg5[%squeeze3A_72, %dma_start3A_142] : memref<4096x49152xf32, #tpu.memory_space<hbm>> -> memref<1x49152xf32, #tpu.memory_space<hbm>>
        tpu.enqueue_dma source(%arg8 : memref<1x49152xf32, #tpu.memory_space<vmem>>) target(%dma_start3A_143 : memref<1x49152xf32, #tpu.memory_space<hbm>>) target_semaphore(%run_scoped3A : memref<!tpu.dma_semaphore, #tpu.memory_space<semaphore_mem>>)
        %dma_wait3A = arith.constant 0 : i32
        %dma_wait3A_144 = tpu.memref_slice %arg5[%squeeze3A_72, %dma_wait3A] : memref<4096x49152xf32, #tpu.memory_space<hbm>> -> memref<1x49152xf32, #tpu.memory_space<hbm>>
        %dma_wait3A_145 = arith.constant 0 : i32
        %dma_wait3A_146 = tpu.memref_slice %arg5[%squeeze3A_72, %dma_wait3A_145] : memref<4096x49152xf32, #tpu.memory_space<hbm>> -> memref<1x49152xf32, #tpu.memory_space<hbm>>
        tpu.wait_dma2 semaphore(%run_scoped3A : memref<!tpu.dma_semaphore, #tpu.memory_space<semaphore_mem>>) src(%arg8 : memref<1x49152xf32, #tpu.memory_space<vmem>>) dst(%dma_wait3A_146 : memref<1x49152xf32, #tpu.memory_space<hbm>>)
        tpu.yield
      }) : () -> ()
      %slice3A_77 = vector.extract_strided_slice %get3A_12 {offsets = [8], sizes = [1], strides = [1]} : vector<16xi32> to vector<1xi32>
      %squeeze3A_78 = vector.extract %slice3A_77[0] : i32 from vector<1xi32>
      %slice3A_79 = vector.extract_strided_slice %get3A_17 {offsets = [8], sizes = [1], strides = [1]} : vector<16xi32> to vector<1xi32>
      %squeeze3A_80 = vector.extract %slice3A_79[0] : i32 from vector<1xi32>
      %ne3A_81 = arith.cmpi ne, %squeeze3A_78, %squeeze3A_70 : i32
      %convert_element_type3A_82 = arith.extui %ne3A_81 : i1 to i32
      %cond3A_83 = arith.constant 0 : i32
      %cond3A_84 = arith.cmpi ne, %convert_element_type3A_82, %cond3A_83 : i32
      scf.if %cond3A_84 {
        "tpu.region"() ({
          %run_scoped3A = tpu.sem_alloc : memref<!tpu.dma_semaphore, #tpu.memory_space<semaphore_mem>>
          %dma_start3A = arith.constant 0 : i32
          %dma_start3A_141 = tpu.memref_slice %arg4[%squeeze3A_78, %dma_start3A] : memref<128x49152xf32, #tpu.memory_space<hbm>> -> memref<1x49152xf32, #tpu.memory_space<hbm>>
          %dma_start3A_142 = arith.constant 0 : i32
          %dma_start3A_143 = tpu.memref_slice %arg4[%squeeze3A_78, %dma_start3A_142] : memref<128x49152xf32, #tpu.memory_space<hbm>> -> memref<1x49152xf32, #tpu.memory_space<hbm>>
          tpu.enqueue_dma source(%dma_start3A_143 : memref<1x49152xf32, #tpu.memory_space<hbm>>) target(%arg8 : memref<1x49152xf32, #tpu.memory_space<vmem>>) target_semaphore(%run_scoped3A : memref<!tpu.dma_semaphore, #tpu.memory_space<semaphore_mem>>)
          %dma_wait3A = arith.constant 0 : i32
          %dma_wait3A_144 = tpu.memref_slice %arg4[%squeeze3A_78, %dma_wait3A] : memref<128x49152xf32, #tpu.memory_space<hbm>> -> memref<1x49152xf32, #tpu.memory_space<hbm>>
          %dma_wait3A_145 = arith.constant 0 : i32
          %dma_wait3A_146 = tpu.memref_slice %arg4[%squeeze3A_78, %dma_wait3A_145] : memref<128x49152xf32, #tpu.memory_space<hbm>> -> memref<1x49152xf32, #tpu.memory_space<hbm>>
          tpu.wait_dma2 semaphore(%run_scoped3A : memref<!tpu.dma_semaphore, #tpu.memory_space<semaphore_mem>>) src(%dma_wait3A_146 : memref<1x49152xf32, #tpu.memory_space<hbm>>) dst(%arg8 : memref<1x49152xf32, #tpu.memory_space<vmem>>)
          tpu.yield
        }) : () -> ()
      } else {
      }
      "tpu.region"() ({
        %run_scoped3A = tpu.sem_alloc : memref<!tpu.dma_semaphore, #tpu.memory_space<semaphore_mem>>
        %dma_start3A = arith.constant 0 : i32
        %dma_start3A_141 = tpu.memref_slice %arg5[%squeeze3A_80, %dma_start3A] : memref<4096x49152xf32, #tpu.memory_space<hbm>> -> memref<1x49152xf32, #tpu.memory_space<hbm>>
        %dma_start3A_142 = arith.constant 0 : i32
        %dma_start3A_143 = tpu.memref_slice %arg5[%squeeze3A_80, %dma_start3A_142] : memref<4096x49152xf32, #tpu.memory_space<hbm>> -> memref<1x49152xf32, #tpu.memory_space<hbm>>
        tpu.enqueue_dma source(%arg8 : memref<1x49152xf32, #tpu.memory_space<vmem>>) target(%dma_start3A_143 : memref<1x49152xf32, #tpu.memory_space<hbm>>) target_semaphore(%run_scoped3A : memref<!tpu.dma_semaphore, #tpu.memory_space<semaphore_mem>>)
        %dma_wait3A = arith.constant 0 : i32
        %dma_wait3A_144 = tpu.memref_slice %arg5[%squeeze3A_80, %dma_wait3A] : memref<4096x49152xf32, #tpu.memory_space<hbm>> -> memref<1x49152xf32, #tpu.memory_space<hbm>>
        %dma_wait3A_145 = arith.constant 0 : i32
        %dma_wait3A_146 = tpu.memref_slice %arg5[%squeeze3A_80, %dma_wait3A_145] : memref<4096x49152xf32, #tpu.memory_space<hbm>> -> memref<1x49152xf32, #tpu.memory_space<hbm>>
        tpu.wait_dma2 semaphore(%run_scoped3A : memref<!tpu.dma_semaphore, #tpu.memory_space<semaphore_mem>>) src(%arg8 : memref<1x49152xf32, #tpu.memory_space<vmem>>) dst(%dma_wait3A_146 : memref<1x49152xf32, #tpu.memory_space<hbm>>)
        tpu.yield
      }) : () -> ()
      %slice3A_85 = vector.extract_strided_slice %get3A_12 {offsets = [9], sizes = [1], strides = [1]} : vector<16xi32> to vector<1xi32>
      %squeeze3A_86 = vector.extract %slice3A_85[0] : i32 from vector<1xi32>
      %slice3A_87 = vector.extract_strided_slice %get3A_17 {offsets = [9], sizes = [1], strides = [1]} : vector<16xi32> to vector<1xi32>
      %squeeze3A_88 = vector.extract %slice3A_87[0] : i32 from vector<1xi32>
      %ne3A_89 = arith.cmpi ne, %squeeze3A_86, %squeeze3A_78 : i32
      %convert_element_type3A_90 = arith.extui %ne3A_89 : i1 to i32
      %cond3A_91 = arith.constant 0 : i32
      %cond3A_92 = arith.cmpi ne, %convert_element_type3A_90, %cond3A_91 : i32
      scf.if %cond3A_92 {
        "tpu.region"() ({
          %run_scoped3A = tpu.sem_alloc : memref<!tpu.dma_semaphore, #tpu.memory_space<semaphore_mem>>
          %dma_start3A = arith.constant 0 : i32
          %dma_start3A_141 = tpu.memref_slice %arg4[%squeeze3A_86, %dma_start3A] : memref<128x49152xf32, #tpu.memory_space<hbm>> -> memref<1x49152xf32, #tpu.memory_space<hbm>>
          %dma_start3A_142 = arith.constant 0 : i32
          %dma_start3A_143 = tpu.memref_slice %arg4[%squeeze3A_86, %dma_start3A_142] : memref<128x49152xf32, #tpu.memory_space<hbm>> -> memref<1x49152xf32, #tpu.memory_space<hbm>>
          tpu.enqueue_dma source(%dma_start3A_143 : memref<1x49152xf32, #tpu.memory_space<hbm>>) target(%arg8 : memref<1x49152xf32, #tpu.memory_space<vmem>>) target_semaphore(%run_scoped3A : memref<!tpu.dma_semaphore, #tpu.memory_space<semaphore_mem>>)
          %dma_wait3A = arith.constant 0 : i32
          %dma_wait3A_144 = tpu.memref_slice %arg4[%squeeze3A_86, %dma_wait3A] : memref<128x49152xf32, #tpu.memory_space<hbm>> -> memref<1x49152xf32, #tpu.memory_space<hbm>>
          %dma_wait3A_145 = arith.constant 0 : i32
          %dma_wait3A_146 = tpu.memref_slice %arg4[%squeeze3A_86, %dma_wait3A_145] : memref<128x49152xf32, #tpu.memory_space<hbm>> -> memref<1x49152xf32, #tpu.memory_space<hbm>>
          tpu.wait_dma2 semaphore(%run_scoped3A : memref<!tpu.dma_semaphore, #tpu.memory_space<semaphore_mem>>) src(%dma_wait3A_146 : memref<1x49152xf32, #tpu.memory_space<hbm>>) dst(%arg8 : memref<1x49152xf32, #tpu.memory_space<vmem>>)
          tpu.yield
        }) : () -> ()
      } else {
      }
      "tpu.region"() ({
        %run_scoped3A = tpu.sem_alloc : memref<!tpu.dma_semaphore, #tpu.memory_space<semaphore_mem>>
        %dma_start3A = arith.constant 0 : i32
        %dma_start3A_141 = tpu.memref_slice %arg5[%squeeze3A_88, %dma_start3A] : memref<4096x49152xf32, #tpu.memory_space<hbm>> -> memref<1x49152xf32, #tpu.memory_space<hbm>>
        %dma_start3A_142 = arith.constant 0 : i32
        %dma_start3A_143 = tpu.memref_slice %arg5[%squeeze3A_88, %dma_start3A_142] : memref<4096x49152xf32, #tpu.memory_space<hbm>> -> memref<1x49152xf32, #tpu.memory_space<hbm>>
        tpu.enqueue_dma source(%arg8 : memref<1x49152xf32, #tpu.memory_space<vmem>>) target(%dma_start3A_143 : memref<1x49152xf32, #tpu.memory_space<hbm>>) target_semaphore(%run_scoped3A : memref<!tpu.dma_semaphore, #tpu.memory_space<semaphore_mem>>)
        %dma_wait3A = arith.constant 0 : i32
        %dma_wait3A_144 = tpu.memref_slice %arg5[%squeeze3A_88, %dma_wait3A] : memref<4096x49152xf32, #tpu.memory_space<hbm>> -> memref<1x49152xf32, #tpu.memory_space<hbm>>
        %dma_wait3A_145 = arith.constant 0 : i32
        %dma_wait3A_146 = tpu.memref_slice %arg5[%squeeze3A_88, %dma_wait3A_145] : memref<4096x49152xf32, #tpu.memory_space<hbm>> -> memref<1x49152xf32, #tpu.memory_space<hbm>>
        tpu.wait_dma2 semaphore(%run_scoped3A : memref<!tpu.dma_semaphore, #tpu.memory_space<semaphore_mem>>) src(%arg8 : memref<1x49152xf32, #tpu.memory_space<vmem>>) dst(%dma_wait3A_146 : memref<1x49152xf32, #tpu.memory_space<hbm>>)
        tpu.yield
      }) : () -> ()
      %slice3A_93 = vector.extract_strided_slice %get3A_12 {offsets = [10], sizes = [1], strides = [1]} : vector<16xi32> to vector<1xi32>
      %squeeze3A_94 = vector.extract %slice3A_93[0] : i32 from vector<1xi32>
      %slice3A_95 = vector.extract_strided_slice %get3A_17 {offsets = [10], sizes = [1], strides = [1]} : vector<16xi32> to vector<1xi32>
      %squeeze3A_96 = vector.extract %slice3A_95[0] : i32 from vector<1xi32>
      %ne3A_97 = arith.cmpi ne, %squeeze3A_94, %squeeze3A_86 : i32
      %convert_element_type3A_98 = arith.extui %ne3A_97 : i1 to i32
      %cond3A_99 = arith.constant 0 : i32
      %cond3A_100 = arith.cmpi ne, %convert_element_type3A_98, %cond3A_99 : i32
      scf.if %cond3A_100 {
        "tpu.region"() ({
          %run_scoped3A = tpu.sem_alloc : memref<!tpu.dma_semaphore, #tpu.memory_space<semaphore_mem>>
          %dma_start3A = arith.constant 0 : i32
          %dma_start3A_141 = tpu.memref_slice %arg4[%squeeze3A_94, %dma_start3A] : memref<128x49152xf32, #tpu.memory_space<hbm>> -> memref<1x49152xf32, #tpu.memory_space<hbm>>
          %dma_start3A_142 = arith.constant 0 : i32
          %dma_start3A_143 = tpu.memref_slice %arg4[%squeeze3A_94, %dma_start3A_142] : memref<128x49152xf32, #tpu.memory_space<hbm>> -> memref<1x49152xf32, #tpu.memory_space<hbm>>
          tpu.enqueue_dma source(%dma_start3A_143 : memref<1x49152xf32, #tpu.memory_space<hbm>>) target(%arg8 : memref<1x49152xf32, #tpu.memory_space<vmem>>) target_semaphore(%run_scoped3A : memref<!tpu.dma_semaphore, #tpu.memory_space<semaphore_mem>>)
          %dma_wait3A = arith.constant 0 : i32
          %dma_wait3A_144 = tpu.memref_slice %arg4[%squeeze3A_94, %dma_wait3A] : memref<128x49152xf32, #tpu.memory_space<hbm>> -> memref<1x49152xf32, #tpu.memory_space<hbm>>
          %dma_wait3A_145 = arith.constant 0 : i32
          %dma_wait3A_146 = tpu.memref_slice %arg4[%squeeze3A_94, %dma_wait3A_145] : memref<128x49152xf32, #tpu.memory_space<hbm>> -> memref<1x49152xf32, #tpu.memory_space<hbm>>
          tpu.wait_dma2 semaphore(%run_scoped3A : memref<!tpu.dma_semaphore, #tpu.memory_space<semaphore_mem>>) src(%dma_wait3A_146 : memref<1x49152xf32, #tpu.memory_space<hbm>>) dst(%arg8 : memref<1x49152xf32, #tpu.memory_space<vmem>>)
          tpu.yield
        }) : () -> ()
      } else {
      }
      "tpu.region"() ({
        %run_scoped3A = tpu.sem_alloc : memref<!tpu.dma_semaphore, #tpu.memory_space<semaphore_mem>>
        %dma_start3A = arith.constant 0 : i32
        %dma_start3A_141 = tpu.memref_slice %arg5[%squeeze3A_96, %dma_start3A] : memref<4096x49152xf32, #tpu.memory_space<hbm>> -> memref<1x49152xf32, #tpu.memory_space<hbm>>
        %dma_start3A_142 = arith.constant 0 : i32
        %dma_start3A_143 = tpu.memref_slice %arg5[%squeeze3A_96, %dma_start3A_142] : memref<4096x49152xf32, #tpu.memory_space<hbm>> -> memref<1x49152xf32, #tpu.memory_space<hbm>>
        tpu.enqueue_dma source(%arg8 : memref<1x49152xf32, #tpu.memory_space<vmem>>) target(%dma_start3A_143 : memref<1x49152xf32, #tpu.memory_space<hbm>>) target_semaphore(%run_scoped3A : memref<!tpu.dma_semaphore, #tpu.memory_space<semaphore_mem>>)
        %dma_wait3A = arith.constant 0 : i32
        %dma_wait3A_144 = tpu.memref_slice %arg5[%squeeze3A_96, %dma_wait3A] : memref<4096x49152xf32, #tpu.memory_space<hbm>> -> memref<1x49152xf32, #tpu.memory_space<hbm>>
        %dma_wait3A_145 = arith.constant 0 : i32
        %dma_wait3A_146 = tpu.memref_slice %arg5[%squeeze3A_96, %dma_wait3A_145] : memref<4096x49152xf32, #tpu.memory_space<hbm>> -> memref<1x49152xf32, #tpu.memory_space<hbm>>
        tpu.wait_dma2 semaphore(%run_scoped3A : memref<!tpu.dma_semaphore, #tpu.memory_space<semaphore_mem>>) src(%arg8 : memref<1x49152xf32, #tpu.memory_space<vmem>>) dst(%dma_wait3A_146 : memref<1x49152xf32, #tpu.memory_space<hbm>>)
        tpu.yield
      }) : () -> ()
      %slice3A_101 = vector.extract_strided_slice %get3A_12 {offsets = [11], sizes = [1], strides = [1]} : vector<16xi32> to vector<1xi32>
      %squeeze3A_102 = vector.extract %slice3A_101[0] : i32 from vector<1xi32>
      %slice3A_103 = vector.extract_strided_slice %get3A_17 {offsets = [11], sizes = [1], strides = [1]} : vector<16xi32> to vector<1xi32>
      %squeeze3A_104 = vector.extract %slice3A_103[0] : i32 from vector<1xi32>
      %ne3A_105 = arith.cmpi ne, %squeeze3A_102, %squeeze3A_94 : i32
      %convert_element_type3A_106 = arith.extui %ne3A_105 : i1 to i32
      %cond3A_107 = arith.constant 0 : i32
      %cond3A_108 = arith.cmpi ne, %convert_element_type3A_106, %cond3A_107 : i32
      scf.if %cond3A_108 {
        "tpu.region"() ({
          %run_scoped3A = tpu.sem_alloc : memref<!tpu.dma_semaphore, #tpu.memory_space<semaphore_mem>>
          %dma_start3A = arith.constant 0 : i32
          %dma_start3A_141 = tpu.memref_slice %arg4[%squeeze3A_102, %dma_start3A] : memref<128x49152xf32, #tpu.memory_space<hbm>> -> memref<1x49152xf32, #tpu.memory_space<hbm>>
          %dma_start3A_142 = arith.constant 0 : i32
          %dma_start3A_143 = tpu.memref_slice %arg4[%squeeze3A_102, %dma_start3A_142] : memref<128x49152xf32, #tpu.memory_space<hbm>> -> memref<1x49152xf32, #tpu.memory_space<hbm>>
          tpu.enqueue_dma source(%dma_start3A_143 : memref<1x49152xf32, #tpu.memory_space<hbm>>) target(%arg8 : memref<1x49152xf32, #tpu.memory_space<vmem>>) target_semaphore(%run_scoped3A : memref<!tpu.dma_semaphore, #tpu.memory_space<semaphore_mem>>)
          %dma_wait3A = arith.constant 0 : i32
          %dma_wait3A_144 = tpu.memref_slice %arg4[%squeeze3A_102, %dma_wait3A] : memref<128x49152xf32, #tpu.memory_space<hbm>> -> memref<1x49152xf32, #tpu.memory_space<hbm>>
          %dma_wait3A_145 = arith.constant 0 : i32
          %dma_wait3A_146 = tpu.memref_slice %arg4[%squeeze3A_102, %dma_wait3A_145] : memref<128x49152xf32, #tpu.memory_space<hbm>> -> memref<1x49152xf32, #tpu.memory_space<hbm>>
          tpu.wait_dma2 semaphore(%run_scoped3A : memref<!tpu.dma_semaphore, #tpu.memory_space<semaphore_mem>>) src(%dma_wait3A_146 : memref<1x49152xf32, #tpu.memory_space<hbm>>) dst(%arg8 : memref<1x49152xf32, #tpu.memory_space<vmem>>)
          tpu.yield
        }) : () -> ()
      } else {
      }
      "tpu.region"() ({
        %run_scoped3A = tpu.sem_alloc : memref<!tpu.dma_semaphore, #tpu.memory_space<semaphore_mem>>
        %dma_start3A = arith.constant 0 : i32
        %dma_start3A_141 = tpu.memref_slice %arg5[%squeeze3A_104, %dma_start3A] : memref<4096x49152xf32, #tpu.memory_space<hbm>> -> memref<1x49152xf32, #tpu.memory_space<hbm>>
        %dma_start3A_142 = arith.constant 0 : i32
        %dma_start3A_143 = tpu.memref_slice %arg5[%squeeze3A_104, %dma_start3A_142] : memref<4096x49152xf32, #tpu.memory_space<hbm>> -> memref<1x49152xf32, #tpu.memory_space<hbm>>
        tpu.enqueue_dma source(%arg8 : memref<1x49152xf32, #tpu.memory_space<vmem>>) target(%dma_start3A_143 : memref<1x49152xf32, #tpu.memory_space<hbm>>) target_semaphore(%run_scoped3A : memref<!tpu.dma_semaphore, #tpu.memory_space<semaphore_mem>>)
        %dma_wait3A = arith.constant 0 : i32
        %dma_wait3A_144 = tpu.memref_slice %arg5[%squeeze3A_104, %dma_wait3A] : memref<4096x49152xf32, #tpu.memory_space<hbm>> -> memref<1x49152xf32, #tpu.memory_space<hbm>>
        %dma_wait3A_145 = arith.constant 0 : i32
        %dma_wait3A_146 = tpu.memref_slice %arg5[%squeeze3A_104, %dma_wait3A_145] : memref<4096x49152xf32, #tpu.memory_space<hbm>> -> memref<1x49152xf32, #tpu.memory_space<hbm>>
        tpu.wait_dma2 semaphore(%run_scoped3A : memref<!tpu.dma_semaphore, #tpu.memory_space<semaphore_mem>>) src(%arg8 : memref<1x49152xf32, #tpu.memory_space<vmem>>) dst(%dma_wait3A_146 : memref<1x49152xf32, #tpu.memory_space<hbm>>)
        tpu.yield
      }) : () -> ()
      %slice3A_109 = vector.extract_strided_slice %get3A_12 {offsets = [12], sizes = [1], strides = [1]} : vector<16xi32> to vector<1xi32>
      %squeeze3A_110 = vector.extract %slice3A_109[0] : i32 from vector<1xi32>
      %slice3A_111 = vector.extract_strided_slice %get3A_17 {offsets = [12], sizes = [1], strides = [1]} : vector<16xi32> to vector<1xi32>
      %squeeze3A_112 = vector.extract %slice3A_111[0] : i32 from vector<1xi32>
      %ne3A_113 = arith.cmpi ne, %squeeze3A_110, %squeeze3A_102 : i32
      %convert_element_type3A_114 = arith.extui %ne3A_113 : i1 to i32
      %cond3A_115 = arith.constant 0 : i32
      %cond3A_116 = arith.cmpi ne, %convert_element_type3A_114, %cond3A_115 : i32
      scf.if %cond3A_116 {
        "tpu.region"() ({
          %run_scoped3A = tpu.sem_alloc : memref<!tpu.dma_semaphore, #tpu.memory_space<semaphore_mem>>
          %dma_start3A = arith.constant 0 : i32
          %dma_start3A_141 = tpu.memref_slice %arg4[%squeeze3A_110, %dma_start3A] : memref<128x49152xf32, #tpu.memory_space<hbm>> -> memref<1x49152xf32, #tpu.memory_space<hbm>>
          %dma_start3A_142 = arith.constant 0 : i32
          %dma_start3A_143 = tpu.memref_slice %arg4[%squeeze3A_110, %dma_start3A_142] : memref<128x49152xf32, #tpu.memory_space<hbm>> -> memref<1x49152xf32, #tpu.memory_space<hbm>>
          tpu.enqueue_dma source(%dma_start3A_143 : memref<1x49152xf32, #tpu.memory_space<hbm>>) target(%arg8 : memref<1x49152xf32, #tpu.memory_space<vmem>>) target_semaphore(%run_scoped3A : memref<!tpu.dma_semaphore, #tpu.memory_space<semaphore_mem>>)
          %dma_wait3A = arith.constant 0 : i32
          %dma_wait3A_144 = tpu.memref_slice %arg4[%squeeze3A_110, %dma_wait3A] : memref<128x49152xf32, #tpu.memory_space<hbm>> -> memref<1x49152xf32, #tpu.memory_space<hbm>>
          %dma_wait3A_145 = arith.constant 0 : i32
          %dma_wait3A_146 = tpu.memref_slice %arg4[%squeeze3A_110, %dma_wait3A_145] : memref<128x49152xf32, #tpu.memory_space<hbm>> -> memref<1x49152xf32, #tpu.memory_space<hbm>>
          tpu.wait_dma2 semaphore(%run_scoped3A : memref<!tpu.dma_semaphore, #tpu.memory_space<semaphore_mem>>) src(%dma_wait3A_146 : memref<1x49152xf32, #tpu.memory_space<hbm>>) dst(%arg8 : memref<1x49152xf32, #tpu.memory_space<vmem>>)
          tpu.yield
        }) : () -> ()
      } else {
      }
      "tpu.region"() ({
        %run_scoped3A = tpu.sem_alloc : memref<!tpu.dma_semaphore, #tpu.memory_space<semaphore_mem>>
        %dma_start3A = arith.constant 0 : i32
        %dma_start3A_141 = tpu.memref_slice %arg5[%squeeze3A_112, %dma_start3A] : memref<4096x49152xf32, #tpu.memory_space<hbm>> -> memref<1x49152xf32, #tpu.memory_space<hbm>>
        %dma_start3A_142 = arith.constant 0 : i32
        %dma_start3A_143 = tpu.memref_slice %arg5[%squeeze3A_112, %dma_start3A_142] : memref<4096x49152xf32, #tpu.memory_space<hbm>> -> memref<1x49152xf32, #tpu.memory_space<hbm>>
        tpu.enqueue_dma source(%arg8 : memref<1x49152xf32, #tpu.memory_space<vmem>>) target(%dma_start3A_143 : memref<1x49152xf32, #tpu.memory_space<hbm>>) target_semaphore(%run_scoped3A : memref<!tpu.dma_semaphore, #tpu.memory_space<semaphore_mem>>)
        %dma_wait3A = arith.constant 0 : i32
        %dma_wait3A_144 = tpu.memref_slice %arg5[%squeeze3A_112, %dma_wait3A] : memref<4096x49152xf32, #tpu.memory_space<hbm>> -> memref<1x49152xf32, #tpu.memory_space<hbm>>
        %dma_wait3A_145 = arith.constant 0 : i32
        %dma_wait3A_146 = tpu.memref_slice %arg5[%squeeze3A_112, %dma_wait3A_145] : memref<4096x49152xf32, #tpu.memory_space<hbm>> -> memref<1x49152xf32, #tpu.memory_space<hbm>>
        tpu.wait_dma2 semaphore(%run_scoped3A : memref<!tpu.dma_semaphore, #tpu.memory_space<semaphore_mem>>) src(%arg8 : memref<1x49152xf32, #tpu.memory_space<vmem>>) dst(%dma_wait3A_146 : memref<1x49152xf32, #tpu.memory_space<hbm>>)
        tpu.yield
      }) : () -> ()
      %slice3A_117 = vector.extract_strided_slice %get3A_12 {offsets = [13], sizes = [1], strides = [1]} : vector<16xi32> to vector<1xi32>
      %squeeze3A_118 = vector.extract %slice3A_117[0] : i32 from vector<1xi32>
      %slice3A_119 = vector.extract_strided_slice %get3A_17 {offsets = [13], sizes = [1], strides = [1]} : vector<16xi32> to vector<1xi32>
      %squeeze3A_120 = vector.extract %slice3A_119[0] : i32 from vector<1xi32>
      %ne3A_121 = arith.cmpi ne, %squeeze3A_118, %squeeze3A_110 : i32
      %convert_element_type3A_122 = arith.extui %ne3A_121 : i1 to i32
      %cond3A_123 = arith.constant 0 : i32
      %cond3A_124 = arith.cmpi ne, %convert_element_type3A_122, %cond3A_123 : i32
      scf.if %cond3A_124 {
        "tpu.region"() ({
          %run_scoped3A = tpu.sem_alloc : memref<!tpu.dma_semaphore, #tpu.memory_space<semaphore_mem>>
          %dma_start3A = arith.constant 0 : i32
          %dma_start3A_141 = tpu.memref_slice %arg4[%squeeze3A_118, %dma_start3A] : memref<128x49152xf32, #tpu.memory_space<hbm>> -> memref<1x49152xf32, #tpu.memory_space<hbm>>
          %dma_start3A_142 = arith.constant 0 : i32
          %dma_start3A_143 = tpu.memref_slice %arg4[%squeeze3A_118, %dma_start3A_142] : memref<128x49152xf32, #tpu.memory_space<hbm>> -> memref<1x49152xf32, #tpu.memory_space<hbm>>
          tpu.enqueue_dma source(%dma_start3A_143 : memref<1x49152xf32, #tpu.memory_space<hbm>>) target(%arg8 : memref<1x49152xf32, #tpu.memory_space<vmem>>) target_semaphore(%run_scoped3A : memref<!tpu.dma_semaphore, #tpu.memory_space<semaphore_mem>>)
          %dma_wait3A = arith.constant 0 : i32
          %dma_wait3A_144 = tpu.memref_slice %arg4[%squeeze3A_118, %dma_wait3A] : memref<128x49152xf32, #tpu.memory_space<hbm>> -> memref<1x49152xf32, #tpu.memory_space<hbm>>
          %dma_wait3A_145 = arith.constant 0 : i32
          %dma_wait3A_146 = tpu.memref_slice %arg4[%squeeze3A_118, %dma_wait3A_145] : memref<128x49152xf32, #tpu.memory_space<hbm>> -> memref<1x49152xf32, #tpu.memory_space<hbm>>
          tpu.wait_dma2 semaphore(%run_scoped3A : memref<!tpu.dma_semaphore, #tpu.memory_space<semaphore_mem>>) src(%dma_wait3A_146 : memref<1x49152xf32, #tpu.memory_space<hbm>>) dst(%arg8 : memref<1x49152xf32, #tpu.memory_space<vmem>>)
          tpu.yield
        }) : () -> ()
      } else {
      }
      "tpu.region"() ({
        %run_scoped3A = tpu.sem_alloc : memref<!tpu.dma_semaphore, #tpu.memory_space<semaphore_mem>>
        %dma_start3A = arith.constant 0 : i32
        %dma_start3A_141 = tpu.memref_slice %arg5[%squeeze3A_120, %dma_start3A] : memref<4096x49152xf32, #tpu.memory_space<hbm>> -> memref<1x49152xf32, #tpu.memory_space<hbm>>
        %dma_start3A_142 = arith.constant 0 : i32
        %dma_start3A_143 = tpu.memref_slice %arg5[%squeeze3A_120, %dma_start3A_142] : memref<4096x49152xf32, #tpu.memory_space<hbm>> -> memref<1x49152xf32, #tpu.memory_space<hbm>>
        tpu.enqueue_dma source(%arg8 : memref<1x49152xf32, #tpu.memory_space<vmem>>) target(%dma_start3A_143 : memref<1x49152xf32, #tpu.memory_space<hbm>>) target_semaphore(%run_scoped3A : memref<!tpu.dma_semaphore, #tpu.memory_space<semaphore_mem>>)
        %dma_wait3A = arith.constant 0 : i32
        %dma_wait3A_144 = tpu.memref_slice %arg5[%squeeze3A_120, %dma_wait3A] : memref<4096x49152xf32, #tpu.memory_space<hbm>> -> memref<1x49152xf32, #tpu.memory_space<hbm>>
        %dma_wait3A_145 = arith.constant 0 : i32
        %dma_wait3A_146 = tpu.memref_slice %arg5[%squeeze3A_120, %dma_wait3A_145] : memref<4096x49152xf32, #tpu.memory_space<hbm>> -> memref<1x49152xf32, #tpu.memory_space<hbm>>
        tpu.wait_dma2 semaphore(%run_scoped3A : memref<!tpu.dma_semaphore, #tpu.memory_space<semaphore_mem>>) src(%arg8 : memref<1x49152xf32, #tpu.memory_space<vmem>>) dst(%dma_wait3A_146 : memref<1x49152xf32, #tpu.memory_space<hbm>>)
        tpu.yield
      }) : () -> ()
      %slice3A_125 = vector.extract_strided_slice %get3A_12 {offsets = [14], sizes = [1], strides = [1]} : vector<16xi32> to vector<1xi32>
      %squeeze3A_126 = vector.extract %slice3A_125[0] : i32 from vector<1xi32>
      %slice3A_127 = vector.extract_strided_slice %get3A_17 {offsets = [14], sizes = [1], strides = [1]} : vector<16xi32> to vector<1xi32>
      %squeeze3A_128 = vector.extract %slice3A_127[0] : i32 from vector<1xi32>
      %ne3A_129 = arith.cmpi ne, %squeeze3A_126, %squeeze3A_118 : i32
      %convert_element_type3A_130 = arith.extui %ne3A_129 : i1 to i32
      %cond3A_131 = arith.constant 0 : i32
      %cond3A_132 = arith.cmpi ne, %convert_element_type3A_130, %cond3A_131 : i32
      scf.if %cond3A_132 {
        "tpu.region"() ({
          %run_scoped3A = tpu.sem_alloc : memref<!tpu.dma_semaphore, #tpu.memory_space<semaphore_mem>>
          %dma_start3A = arith.constant 0 : i32
          %dma_start3A_141 = tpu.memref_slice %arg4[%squeeze3A_126, %dma_start3A] : memref<128x49152xf32, #tpu.memory_space<hbm>> -> memref<1x49152xf32, #tpu.memory_space<hbm>>
          %dma_start3A_142 = arith.constant 0 : i32
          %dma_start3A_143 = tpu.memref_slice %arg4[%squeeze3A_126, %dma_start3A_142] : memref<128x49152xf32, #tpu.memory_space<hbm>> -> memref<1x49152xf32, #tpu.memory_space<hbm>>
          tpu.enqueue_dma source(%dma_start3A_143 : memref<1x49152xf32, #tpu.memory_space<hbm>>) target(%arg8 : memref<1x49152xf32, #tpu.memory_space<vmem>>) target_semaphore(%run_scoped3A : memref<!tpu.dma_semaphore, #tpu.memory_space<semaphore_mem>>)
          %dma_wait3A = arith.constant 0 : i32
          %dma_wait3A_144 = tpu.memref_slice %arg4[%squeeze3A_126, %dma_wait3A] : memref<128x49152xf32, #tpu.memory_space<hbm>> -> memref<1x49152xf32, #tpu.memory_space<hbm>>
          %dma_wait3A_145 = arith.constant 0 : i32
          %dma_wait3A_146 = tpu.memref_slice %arg4[%squeeze3A_126, %dma_wait3A_145] : memref<128x49152xf32, #tpu.memory_space<hbm>> -> memref<1x49152xf32, #tpu.memory_space<hbm>>
          tpu.wait_dma2 semaphore(%run_scoped3A : memref<!tpu.dma_semaphore, #tpu.memory_space<semaphore_mem>>) src(%dma_wait3A_146 : memref<1x49152xf32, #tpu.memory_space<hbm>>) dst(%arg8 : memref<1x49152xf32, #tpu.memory_space<vmem>>)
          tpu.yield
        }) : () -> ()
      } else {
      }
      "tpu.region"() ({
        %run_scoped3A = tpu.sem_alloc : memref<!tpu.dma_semaphore, #tpu.memory_space<semaphore_mem>>
        %dma_start3A = arith.constant 0 : i32
        %dma_start3A_141 = tpu.memref_slice %arg5[%squeeze3A_128, %dma_start3A] : memref<4096x49152xf32, #tpu.memory_space<hbm>> -> memref<1x49152xf32, #tpu.memory_space<hbm>>
        %dma_start3A_142 = arith.constant 0 : i32
        %dma_start3A_143 = tpu.memref_slice %arg5[%squeeze3A_128, %dma_start3A_142] : memref<4096x49152xf32, #tpu.memory_space<hbm>> -> memref<1x49152xf32, #tpu.memory_space<hbm>>
        tpu.enqueue_dma source(%arg8 : memref<1x49152xf32, #tpu.memory_space<vmem>>) target(%dma_start3A_143 : memref<1x49152xf32, #tpu.memory_space<hbm>>) target_semaphore(%run_scoped3A : memref<!tpu.dma_semaphore, #tpu.memory_space<semaphore_mem>>)
        %dma_wait3A = arith.constant 0 : i32
        %dma_wait3A_144 = tpu.memref_slice %arg5[%squeeze3A_128, %dma_wait3A] : memref<4096x49152xf32, #tpu.memory_space<hbm>> -> memref<1x49152xf32, #tpu.memory_space<hbm>>
        %dma_wait3A_145 = arith.constant 0 : i32
        %dma_wait3A_146 = tpu.memref_slice %arg5[%squeeze3A_128, %dma_wait3A_145] : memref<4096x49152xf32, #tpu.memory_space<hbm>> -> memref<1x49152xf32, #tpu.memory_space<hbm>>
        tpu.wait_dma2 semaphore(%run_scoped3A : memref<!tpu.dma_semaphore, #tpu.memory_space<semaphore_mem>>) src(%arg8 : memref<1x49152xf32, #tpu.memory_space<vmem>>) dst(%dma_wait3A_146 : memref<1x49152xf32, #tpu.memory_space<hbm>>)
        tpu.yield
      }) : () -> ()
      %slice3A_133 = vector.extract_strided_slice %get3A_12 {offsets = [15], sizes = [1], strides = [1]} : vector<16xi32> to vector<1xi32>
      %squeeze3A_134 = vector.extract %slice3A_133[0] : i32 from vector<1xi32>
      %slice3A_135 = vector.extract_strided_slice %get3A_17 {offsets = [15], sizes = [1], strides = [1]} : vector<16xi32> to vector<1xi32>
      %squeeze3A_136 = vector.extract %slice3A_135[0] : i32 from vector<1xi32>
      %ne3A_137 = arith.cmpi ne, %squeeze3A_134, %squeeze3A_126 : i32
      %convert_element_type3A_138 = arith.extui %ne3A_137 : i1 to i32
      %cond3A_139 = arith.constant 0 : i32
      %cond3A_140 = arith.cmpi ne, %convert_element_type3A_138, %cond3A_139 : i32
      scf.if %cond3A_140 {
        "tpu.region"() ({
          %run_scoped3A = tpu.sem_alloc : memref<!tpu.dma_semaphore, #tpu.memory_space<semaphore_mem>>
          %dma_start3A = arith.constant 0 : i32
          %dma_start3A_141 = tpu.memref_slice %arg4[%squeeze3A_134, %dma_start3A] : memref<128x49152xf32, #tpu.memory_space<hbm>> -> memref<1x49152xf32, #tpu.memory_space<hbm>>
          %dma_start3A_142 = arith.constant 0 : i32
          %dma_start3A_143 = tpu.memref_slice %arg4[%squeeze3A_134, %dma_start3A_142] : memref<128x49152xf32, #tpu.memory_space<hbm>> -> memref<1x49152xf32, #tpu.memory_space<hbm>>
          tpu.enqueue_dma source(%dma_start3A_143 : memref<1x49152xf32, #tpu.memory_space<hbm>>) target(%arg8 : memref<1x49152xf32, #tpu.memory_space<vmem>>) target_semaphore(%run_scoped3A : memref<!tpu.dma_semaphore, #tpu.memory_space<semaphore_mem>>)
          %dma_wait3A = arith.constant 0 : i32
          %dma_wait3A_144 = tpu.memref_slice %arg4[%squeeze3A_134, %dma_wait3A] : memref<128x49152xf32, #tpu.memory_space<hbm>> -> memref<1x49152xf32, #tpu.memory_space<hbm>>
          %dma_wait3A_145 = arith.constant 0 : i32
          %dma_wait3A_146 = tpu.memref_slice %arg4[%squeeze3A_134, %dma_wait3A_145] : memref<128x49152xf32, #tpu.memory_space<hbm>> -> memref<1x49152xf32, #tpu.memory_space<hbm>>
          tpu.wait_dma2 semaphore(%run_scoped3A : memref<!tpu.dma_semaphore, #tpu.memory_space<semaphore_mem>>) src(%dma_wait3A_146 : memref<1x49152xf32, #tpu.memory_space<hbm>>) dst(%arg8 : memref<1x49152xf32, #tpu.memory_space<vmem>>)
          tpu.yield
        }) : () -> ()
      } else {
      }
      "tpu.region"() ({
        %run_scoped3A = tpu.sem_alloc : memref<!tpu.dma_semaphore, #tpu.memory_space<semaphore_mem>>
        %dma_start3A = arith.constant 0 : i32
        %dma_start3A_141 = tpu.memref_slice %arg5[%squeeze3A_136, %dma_start3A] : memref<4096x49152xf32, #tpu.memory_space<hbm>> -> memref<1x49152xf32, #tpu.memory_space<hbm>>
        %dma_start3A_142 = arith.constant 0 : i32
        %dma_start3A_143 = tpu.memref_slice %arg5[%squeeze3A_136, %dma_start3A_142] : memref<4096x49152xf32, #tpu.memory_space<hbm>> -> memref<1x49152xf32, #tpu.memory_space<hbm>>
        tpu.enqueue_dma source(%arg8 : memref<1x49152xf32, #tpu.memory_space<vmem>>) target(%dma_start3A_143 : memref<1x49152xf32, #tpu.memory_space<hbm>>) target_semaphore(%run_scoped3A : memref<!tpu.dma_semaphore, #tpu.memory_space<semaphore_mem>>)
        %dma_wait3A = arith.constant 0 : i32
        %dma_wait3A_144 = tpu.memref_slice %arg5[%squeeze3A_136, %dma_wait3A] : memref<4096x49152xf32, #tpu.memory_space<hbm>> -> memref<1x49152xf32, #tpu.memory_space<hbm>>
        %dma_wait3A_145 = arith.constant 0 : i32
        %dma_wait3A_146 = tpu.memref_slice %arg5[%squeeze3A_136, %dma_wait3A_145] : memref<4096x49152xf32, #tpu.memory_space<hbm>> -> memref<1x49152xf32, #tpu.memory_space<hbm>>
        tpu.wait_dma2 semaphore(%run_scoped3A : memref<!tpu.dma_semaphore, #tpu.memory_space<semaphore_mem>>) src(%arg8 : memref<1x49152xf32, #tpu.memory_space<vmem>>) dst(%dma_wait3A_146 : memref<1x49152xf32, #tpu.memory_space<hbm>>)
        tpu.yield
      }) : () -> ()
      scf.yield %squeeze3A_134 : i32
    }
    %scan3A_6 = arith.constant 8 : i32
    return
  }
}

</mosaic_0001>

<sc_bundles>
// kernel: gather_offload_async_start
scs
__scs_entry_jumppad:
0x0: {  	(pc) =	sbr.rel $0x88, $3  }
0x1: {  	(tag) =	ssettag $0x0;
	lr =	simm.s32 $0x1  }
0x2: {  	[smem:$0x3F9F] =	sst lr;
	_ =	strace $0xD0000000  }
0x3: {  	_ = 	snop  }
0x4: {  	_ = 	snop  }
0x5: {  	_ = 	snop  }
0x6: {  	_ = 	snop  }
0x7: {  	_ = 	snop  }
__scs_overlays_trampoline_lowered:
0x8: {  	[smem:$0x3FAE] =	sst s0  }
0x9: {  	[smem:$0x3FAF] =	sst s1  }
0xa: {  	[smem:$0x3FB0] =	sst s2  }
0xb: {  	[smem:$0x3FB1] =	sst s3  }
0xc: {  	[smem:$0x3FB2] =	sst s4  }
0xd: {  	[smem:$0x3FB3] =	sst s5  }
0xe: {  	[smem:$0x3FB4] =	sst s6  }
0xf: {  	[smem:$0x3FB5] =	sst s7  }
0x10: {  	[smem:$0x3FB6] =	sst s8  }
0x11: {  	[smem:$0x3FB7] =	sst s9;
	s0 =	simm.s32 @!p0 $0x0  }
0x12: {  	s1 =	sld [smem:$0x3F9D];
	s0 =	simm.s32 @p0 $0x1  }
0x13: {  	[smem:$0x3FB8] =	sst s0;
	s0 =	simm.s32 @!p1 $0x0  }
0x14: {  	s2 =	sld [smem:$0x3F9C];
	s0 =	simm.s32 @p1 $0x1  }
0x15: {  	[smem:$0x3FB9] =	sst s0;
	s0 =	simm.s32 @!p2 $0x0  }
0x16: {  	s3 =	sld [smem:$0x3FDB];
	s0 =	simm.s32 @p2 $0x1  }
0x17: {  	s4 =	simm.s32 $0x1BF5;
	[smem:$0x3FBB] =	sst s0  }
0x18: {  	s0 =	sld [smem:$0x3F9E];
	_ =	swait.ge [sflag:s4], $0x0  }
0x19: {  	s7 =	sld [smem:$0x3F9F]  }
0x1a: {  	s8 =	sadd.s32 $0xFFFFE003, lr  }
0x1b: {  	s9 =	sadd.s32 $0xFFFFFEF7, lr;
	s5 =	simm.s32 $0xFFFFFFFF;
	p2 =	slt.u32 s8, $0xFFFFF086  }
0x1c: {  	p1 =	slt.u32 s9, $0xF7A;
	s5 =	simm.s32 @!p2 $0x0  }
0x1d: {  	s5 =	simm.s32 @p1 $0x1;
	p0 =	seq.s32 s7, s2  }
0x1e: {  	s7 =	smul.u32 @!p0 $0xF7A, s2;
	p2 =	seq.s32 @!p0 s5, $0x0  }
0x1f: {  	s9 =	smul.u32 $0xF7A, s1;
	s8 =	simm.s32 @!p0 $0x1BF5;
	p2 =	por !p2, p0  }
0x20: {  	[sflag:s8] =	ssyncset.s32 @!p0 $0xFFFFF086;
	s6 =	sadd.s32 @!p0 s3, s7;
	s7 =	simm.s32 @!p0 $0x108  }
0x21: {  	s3 =	sadd.s32 s3, s9;
	s6 =	sadd.s32 @!p0 $0x88, s6;
	s7 =	simm.s32 @p2 $0x1082  }
0x22: {  	[simem:s7], [sflag:s8] =	dma.local @!p0 [hbm:s6], $0xF7A  }
0x23: {  	s9 =	sor.u32 $0xD0000000, s2;
	s6 =	simm.s32 $0x108;
	_ =	swait.ge @!p0 [sflag:s8], $0x0  }
0x24: {  	s3 =	sadd.s32 $0x88, s3;
	s6 =	simm.s32 @!p1 $0x1082;
	[sflag:s4] =	ssyncset.s32 $0xFFFFF086  }
0x25: {  	[simem:s6], [sflag:s4] =	dma.local [hbm:s3], $0xF7A  }
0x26: {  	[smem:$0x3F9F] =	sst s1;
	(tag) =	ssettag s2;
	_ =	strace s9  }
0x27: {  	s1 =	sld [smem:$0x3FAF]  }
0x28: {  	s2 =	sld [smem:$0x3FB0]  }
0x29: {  	s4 =	sld [smem:$0x3FB2]  }
0x2a: {  	p0 =	seq.s32 s5, $0x0;
	s5 =	sld [smem:$0x3FB3]  }
0x2b: {  	s6 =	sld [smem:$0x3FB4]  }
0x2c: {  	s7 =	sld [smem:$0x3FB5]  }
0x2d: {  	s3 =	simm.s32 $0x108;
	s8 =	sld [smem:$0x3FB6]  }
0x2e: {  	s3 =	simm.s32 @!p0 $0x1082;
	s9 =	sld [smem:$0x3FB7]  }
0x2f: {  	lr =	sadd.s32 s0, s3;
	s0 =	sld [smem:$0x3FAE]  }
0x30: {  	s3 =	sld [smem:$0x3FB1]  }
0x31: {  	[smem:$0x3FBA] =	sst s10  }
0x32: {  	s10 =	sld [smem:$0x3FB8];
	_ =	sdelay $0x3  }
0x33: {  	p0 =	seq.s32 s10, $0x1;
	s10 =	sld [smem:$0x3FBA];
	_ =	sdelay $0x3  }
0x34: {  	[smem:$0x3FBA] =	sst s10  }
0x35: {  	s10 =	sld [smem:$0x3FB9];
	_ =	sdelay $0x3  }
0x36: {  	p1 =	seq.s32 s10, $0x1;
	s10 =	sld [smem:$0x3FBA];
	_ =	sdelay $0x3  }
0x37: {  	[smem:$0x3FBA] =	sst s10  }
0x38: {  	s10 =	sld [smem:$0x3FBB]  }
0x39: {  	_ = 	snop;
	(pc) =	sbr.ind lr, $3  }
0x3a: {  	_ = 	snop  }
0x3b: {  	_ = 	snop  }
0x3c: {  	p2 =	seq.s32 s10, $0x1;
	s10 =	sld [smem:$0x3FBA]  }
0x3d: {  	_ =	shalt  }
0x3e: {  	_ =	shalt  }
0x3f: {  	_ =	shalt  }
0x40: {  	_ =	shalt  }
0x41: {  	_ =	shalt  }
0x42: {  	_ =	shalt  }
0x43: {  	_ =	shalt  }
0x44: {  	_ =	shalt  }
0x45: {  	_ =	shalt  }
0x46: {  	_ =	shalt  }
0x47: {  	_ =	shalt  }
0x48: {  	_ =	shalt  }
0x49: {  	_ =	shalt  }
0x4a: {  	_ =	shalt  }
0x4b: {  	_ =	shalt  }
0x4c: {  	_ =	shalt  }
0x4d: {  	_ =	shalt  }
0x4e: {  	_ =	shalt  }
0x4f: {  	_ =	shalt  }
0x50: {  	_ =	shalt  }
0x51: {  	_ =	shalt  }
0x52: {  	_ =	shalt  }
0x53: {  	_ =	shalt  }
0x54: {  	_ =	shalt  }
0x55: {  	_ =	shalt  }
0x56: {  	_ =	shalt  }
0x57: {  	_ =	shalt  }
0x58: {  	_ =	shalt  }
0x59: {  	_ =	shalt  }
0x5a: {  	_ =	shalt  }
0x5b: {  	_ =	shalt  }
0x5c: {  	_ =	shalt  }
0x5d: {  	_ =	shalt  }
0x5e: {  	_ =	shalt  }
0x5f: {  	_ =	shalt  }
0x60: {  	_ =	shalt  }
0x61: {  	_ =	shalt  }
0x62: {  	_ =	shalt  }
0x63: {  	_ =	shalt  }
0x64: {  	_ =	shalt  }
0x65: {  	_ =	shalt  }
0x66: {  	_ =	shalt  }
0x67: {  	_ =	shalt  }
0x68: {  	_ =	shalt  }
0x69: {  	_ =	shalt  }
0x6a: {  	_ =	shalt  }
0x6b: {  	_ =	shalt  }
0x6c: {  	_ =	shalt  }
0x6d: {  	_ =	shalt  }
0x6e: {  	_ =	shalt  }
0x6f: {  	_ =	shalt  }
0x70: {  	_ =	shalt  }
0x71: {  	_ =	shalt  }
0x72: {  	_ =	shalt  }
0x73: {  	_ =	shalt  }
0x74: {  	_ =	shalt  }
0x75: {  	_ =	shalt  }
0x76: {  	_ =	shalt  }
0x77: {  	_ =	shalt  }
0x78: {  	_ =	shalt  }
0x79: {  	_ =	shalt  }
0x7a: {  	_ =	shalt  }
0x7b: {  	_ =	shalt  }
0x7c: {  	_ =	shalt  }
0x7d: {  	_ =	shalt  }
0x7e: {  	_ =	shalt  }
0x7f: {  	_ =	shalt  }
0x80: {  	_ =	shalt  }
0x81: {  	_ =	shalt  }
0x82: {  	_ =	shalt  }
0x83: {  	_ =	shalt  }
0x84: {  	_ =	shalt  }
0x85: {  	_ =	shalt  }
0x86: {  	_ =	shalt  }
0x87: {  	_ =	shalt  }
.Lfunc_end0:
.L_simem_size_0:
called_computation_lowered:
.L_overlay_start_0:
0x88: {  	s2 =	sld [smem:$0x3FD9]  }
0x89: {  	s3 =	sld [smem:$0x3FFE];
	_ =	sdelay $0x1  }
0x8a: {  	s1 =	srdreg.scid  }
0x8b: {  	s0 =	sand.u32 $0x1, s1  }
0x8c: {  	s17 =	sshll.u32 s0, $0xA;
	s2 =	sadd.s32 s3, s2  }
0x8d: {  	s2 =	sadd.s32 s2, s17  }
0x8e: {  	[smem:$0x3FC6] =	sst s2  }
0x8f: {  	_ = 	snop  }
0x90: {  	s2 =	sld [smem:$0x3FC9]  }
0x91: {  	s18 =	sld [smem:$0x3FD0];
	(tm) =	ssettm $0x1  }
0x92: {  	s4 =	sld [smem:$0x3FFB];
	_ =	sdelay $0x3  }
0x93: {  	_ =	strace s4  }
0x94: {  	s4 =	sld [smem:$0x3FFC];
	_ =	sdelay $0x3  }
0x95: {  	_ =	strace s4  }
0x96: {  	s4 =	sld [smem:$0x3FFD];
	_ =	sdelay $0x3  }
0x97: {  	_ =	strace s4  }
0x98: {  	_ =	strace $0x8FFFFFFF  }
0x99: {  	s19 =	sld [smem:$0x3FDB];
	_ =	sdelay $0x1  }
0x9a: {  	s5 =	simm.s32 $_scs_section_size  }
0x9b: {  	s6 =	simm.s32 $_size__tile_overlayer_lowered;
	s7 =	simm.s32 $_tile_overlayer_lowered  }
0x9c: {  	s22 =	simm.s32 $0x1BFF;
	s21 =	sshll.u32 s7, $0x1;
	s4 =	sadd.s32 s5, s19  }
0x9d: {  	s8 =	simm.s32 $0x0;
	s20 =	sshll.u32 s6, $0x1;
	s6 =	sadd.s32 s21, s4  }
0x9e: {  	[timem:s8], [sflag:s22] =	dma.local [hbm:s6], s20  }
0x9f: {  	_ =	swait.ge [sflag:s22], s20  }
0xa0: {  	s5 =	ssub.s32 $0x0, s20;
	[sflag:s22] =	ssyncset.done $0x0  }
0xa1: {  	[sflag:s22] =	ssyncadd.s32 s5;
	_ =	sdelay $0x1  }
0xa2: {  	s23 =	simm.s32 $0x1B8B  }
0xa3: {  	_ =	swait.ge [sflag:s23], $0x1  }
0xa4: {  	[sflag:s23] =	ssyncset.done $0x0  }
0xa5: {  	s25 =	simm.s32 $0x1B8E;
	s24 =	sld [smem:$0x3FFE];
	[sflag:s23] =	ssyncadd.s32 $0xFFFFFFFF  }
0xa6: {  	s26 =	simm.s32 $execute0_lowered;
	[smem:$0x3FD2] =	sst s25  }
0xa7: {  	s6 =	sshll.u32 s26, $0x1;
	_ =	strace $0x80000046;
	[dreg:$0x1] =	wrdreg $0xFFFFFFFF  }
0xa8: {  	s28 =	simm.s32 $_size_execute0_lowered;
	s4 =	sadd.s32 s4, s6;
	[dreg:$0x0] =	wrdreg $0x0  }
0xa9: {  	s6 =	sshll.u32 s28, $0x1;
	[dreg:$0x2] =	wrdreg s4  }
0xaa: {  	[dreg:$0x3] =	wrdreg s6  }
0xab: {  	[dreg:$0x4] =	wrdreg $0xC0  }
0xac: {  	_ =	task [dreg:s8], $0x5FFFF  }
0xad: {  	[dreg:$0x1] =	wrdreg $0xFFFFFFFF  }
0xae: {  	[dreg:$0x0] =	wrdreg $0x60  }
0xaf: {  	[dreg:$0x2] =	wrdreg s2  }
0xb0: {  	[dreg:$0x3] =	wrdreg s18  }
0xb1: {  	[dreg:$0x4] =	wrdreg s24  }
0xb2: {  	[dreg:$0x5] =	wrdreg $0x9  }
0xb3: {  	_ =	task.clear_ibuf [dreg:s8], $0x6FFFF;
	_ =	strace $0x90000046  }
0xb4: {  	s29 =	simm.s32 $0x9;
	_ =	strace $0x80000048  }
0xb5: {  	_ =	swait.ge [sflag:s29], $0x1  }
0xb6: {  	[sflag:s29] =	ssyncadd.s32 $0xFFFFFFFF  }
0xb7: {  	_ =	strace $0x90000048  }
0xb8: {  	_ =	sfence  }
0xb9: {  	s30 =	sld [smem:$0x0];
	_ =	sdelay $0x2  }
0xba: {  	s31 =	sshll.u32 s1, $0xD;
	s1 =	sshrl.u32 s1, $0x2  }
0xbb: {  	s3 =	sand.u32 $0x4000, s31;
	s1 =	sadd.s32 s1, s30  }
0xbc: {  	s0 =	sor.u32 s3, s0;
	s1 =	sshll.u32 s1, $0x11  }
0xbd: {  	s0 =	sor.u32 s1, s0  }
0xbe: {  	s0 =	sadd.s32 $0x8F2B, s0  }
0xbf: {  	[sflag:s0] =	ssyncadd.remote.s32 $0x1  }
0xc0: {  	_ =	sfence.sel $0xFFFF  }
0xc1: {  	[dreg:$0x0] =	wrdreg $0xFFFFFFFF;
	(pc) =	sbr.abs _section_cstart, $3  }
0xc2: {  	[dreg:$0x1] =	wrdreg $0xFFFFFFFF  }
0xc3: {  	_ =	task.clear_ibuf [dreg:s8], $0x2FFFF;
	_ =	strace $0x9FFFFFFF  }
0xc4: {  	(tm) =	ssettm $0x7FFFFFFF  }
0xc5: {  	_ =	shalt  }
tec
execute0_lowered:
.L_overlay_start_1:
0x0: {  	(tag) =	ssettag $0x1  }
0x1: {  	s2 =	rddreg [dreg:$0x0]  }
0x2: {  	s1 =	srdreg.scid;
	s3 =	rddreg [dreg:$0x1]  }
0x3: {  	s0 =	stileid.u32;
	s5 =	rddreg [dreg:$0x2]  }
0x4: {  	s9 =	simm.s32 $0x1;
	s10 =	simm.s32 $0x3;
	s1 =	sshll.u32 s1, $0x6  }
0x5: {  	s13 =	simm.s32 $0x0;
	s4 =	sshll.u32 s0, $0x7;
	s6 =	sand.u32 $0x40, s1  }
0x6: {  	s12 =	simm.s32 $0x0;
	s5 =	sadd.s32 $0x200, s5;
	s4 =	sor.u32 s4, s6  }
0x7: {  	s1 =	rddreg [dreg:$0x3];
	_ =	strace $0x80000047;
	s8 =	ssub.s32 $0x1000, s4  }
.Ltmp0:
0x8: {  	s6 =	simm.s32 $0x1;
	s7 =	sand.u32 $0x7C0, s8;
	(pc) =	sbr.rel .LBB2_1-.Ltmp0, $4  }
0x9: {  	[sflag:s6] =	ssyncpa.u1 $0x0;
	s11 =	smov.u32 s4;
	p0 =	sne.s32 s7, $0x0  }
0xa: {  	s8 =	sshrl.u32 s8, $0xB;
	s7 =	simm.s32 $0x2;
	s9 =	simm.s32 @!p0 $0x0  }
0xb: {  	[sflag:s7] =	ssyncpa.u1 $0x0;
	p0 =	por $0x0, $0x0;
	s8 =	sadd.s32 s9, s8  }
0xc: {  	vm0 =	vmmov $0xffff;
	[sflag:s10] =	ssyncpa.u1 $0x0;
	s10 =	simm.s32 $0x0;
	s9 =	sadd.s32 $0x1, s8  }
.LBB2_4:
0xd: {  	v2 =	vnsel vm1, $0x0, v2  }
0xe: {  	vm1 =	vgt.s32 v0, $0x0;
	v2 =	vmin.u32 v2, $0xFFF  }
0xf: {  	v0 =	vnsel vm1, $0x0, v0  }
0x10: {  	v0 =	vmin.u32 v0, $0xFFF  }
0x11: {  	[tilespmem:s15], [sflag:$0x1] =	stream.indirect_vreg.gather [hbm4b:s2+s10], $0x1, v1, vm0, $0x4038;
	[tilespmem:$0x100] =	vst v63  }
0x12: {  	(ifvalue) =	ssetifvalue $0x7FFFFFFF  }
0x13: {  	[tilespmem:s16], [sflag:$0x1] =	stream.indirect_vreg.gather [hbm4b:s2+s10], $0x1, v2, vm0, $0x4038;
	[tilespmem:$0x100] =	vst v63  }
0x14: {  	s29 =	sadd.s32 $0x10, s16;
	(ifvalue) =	ssetifvalue $0x7FFFFFFF  }
0x15: {  	[tilespmem:s29], [sflag:$0x1] =	stream.indirect_vreg.gather [hbm4b:s2+s10], $0x1, v0, vm0, $0x4038;
	[tilespmem:$0x100] =	vst v63  }
0x16: {  	_ =	swait.ge [sflag:s6], $0x40  }
0x17: {  	s30 =	sshrl.u32 s13, $0x3;
	[sflag:s6] =	ssyncset.done $0x0  }
0x18: {  	s31 =	sand.u32 $0x7, s13;
	s15 =	sadd.s32 s5, s30;
	[sflag:s6] =	ssyncadd.s32 $0xFFFFFFC0  }
0x19: {  	[hbm4b:s15+s31] =	stream.linear.scatter [tilespmem:s14], [sflag:$0x3], $0x40, $0x38;
	[tilespmem:$0x100] =	vst v63  }
.LBB2_5:
0x1a: {  	s15 =	sadd.s32 $0x800, s11  }
0x1b: {  	p2 =	sgt.s32 s15, $0xFFF  }
0x1c: {  	s15 =	smov.u32 @p2 s4;
	p2 =	sne.s32 s12, s9  }
.Ltmp1:
0x1d: {  	p1 =	slt.u32 s12, $0x2;
	(pc) =	sbr.rel @!p2 .LBB2_6-.Ltmp1, $4  }
0x1e: {  	s14 =	simm.s32 @!p1 $0x3  }
0x1f: {  	s16 =	sadd.s32 $0x1, s12;
	_ =	swait.ge @!p1 [sflag:s14], $0x40  }
0x20: {  	s13 =	smov.u32 s11;
	p0 =	por !p0, !p0;
	[sflag:s14] =	ssyncset.done @!p1 $0x0  }
0x21: {  	s12 =	smov.u32 s16;
	s11 =	smov.u32 s15;
	[sflag:s14] =	ssyncadd.s32 @!p1 $0xFFFFFFC0  }
.LBB2_1:
0x22: {  	p1 =	sge.u32 s12, s8  }
0x23: {  	s14 =	sxor.u32 @!p1 $0xFFFFFFFF, s12  }
0x24: {  	s31 =	sadd.s32 $0xFFFFFFFF, s12;
	s15 =	sshrl.u32 @!p1 s11, $0x3;
	s14 =	sshll.u32 @!p1 s14, $0x6  }
0x25: {  	s16 =	sand.u32 @!p1 $0x7, s11;
	s15 =	sadd.s32 @!p1 s3, s15;
	s14 =	sand.u32 @!p1 $0x40, s14  }
0x26: {  	[tilespmem:s14], [sflag:$0x2] =	stream.linear.gather @!p1 [hbm4b:s15+s16], $0x40, $0x38;
	[tilespmem:$0x100] =	vst v63  }
0x27: {  	p1 =	sge.u32 s31, s8  }
.Ltmp2:
0x28: {  	_ = 	snop;
	(pc) =	sbr.rel @p1 .LBB2_5-.Ltmp2, $1  }
0x29: {  	_ =	sdelay $0x3  }
0x2a: {  	s14 =	simm.s32 $0x1  }
0x2b: {  	_ =	swait.ge [sflag:s7], $0x40;
	s14 =	simm.s32 @!p0 $0x0  }
0x2c: {  	[sflag:s7] =	ssyncset.done $0x0;
	s14 =	sshll.u32 s14, $0x6  }
0x2d: {  	[sflag:s7] =	ssyncadd.s32 $0xFFFFFFC0;
	(ifvalue) =	ssetifvalue $0x7FFFFFFF;
	v0 =	vld.msk [tilespmem:s14+$0x0 ss:$0x1], $0xffff;
	_ =	sdelay $0x4  }
0x2e: {  	s15 =	sadd.s32 $0x10, s14;
	vm1 =	vgt.s32 v0, $0x0  }
0x2f: {  	v2 =	vld.msk [tilespmem:s15+$0x0 ss:$0x1], $0xffff;
	v1 =	vnsel vm1, $0x0, v0  }
0x30: {  	v1 =	vmin.u32 v1, $0xFFF;
	_ =	sdelay $0x1  }
0x31: {  	s16 =	sshll.u32 s12, $0x6;
	s18 =	simm.s32 $0x20  }
0x32: {  	s16 =	sand.u32 $0x40, s16;
	s17 =	sadd.s32 $0x10, s15;
	s15 =	sor.u32 $0x80, s14  }
0x33: {  	s14 =	sor.u32 $0x80, s16;
	s16 =	sadd.s32 $0x10, s15;
	v0 =	vld.msk [tilespmem:s17+$0x0 ss:$0x1], $0xffff;
	vm1 =	vgt.s32 v2, $0x0;
	(ifvalue) =	ssetifvalue $0x7FFFFFFF  }
.LBB2_3:
0x34: {  	[tilespmem:s15], [sflag:$0x1] =	stream.indirect_vreg.gather [hbm4b:s2+s10], $0x1, v1, vm0, $0x4038;
	[tilespmem:$0x100] =	vst v63  }
0x35: {  	s18 =	sadd.s32 $0x10, s18  }
0x36: {  	v2 =	vnsel vm1, $0x0, v2;
	p1 =	slt.u32 s18, $0x30  }
.Ltmp3:
0x37: {  	s15 =	smov.u32 s16;
	v1 =	vmin.u32 v2, $0xFFF;
	(pc) =	sbr.rel @p1 .LBB2_3-.Ltmp3, $3  }
0x38: {  	_ =	sdelay $0x1  }
0x39: {  	s17 =	sadd.s32 $0x10, s17  }
0x3a: {  	vm1 =	vgt.s32 v0, $0x0;
	s16 =	sadd.s32 $0x10, s16;
	v2 =	vmov v0;
	(ifvalue) =	ssetifvalue $0x7FFFFFFF;
	v0 =	vld.msk [tilespmem:s17+$0x0 ss:$0x1], $0xffff  }
.Ltmp4:
0x3b: {  	_ = 	snop;
	(pc) =	sbr.rel .LBB2_4-.Ltmp4, $1  }
0x3c: {  	_ =	sdelay $0x3  }
.LBB2_6:
0x3d: {  	_ =	sfence.sel $0x180000  }
0x3e: {  	s2 =	simm.s32 $0x2;
	[bflag:$0x0] =	sbarrier.arrive $0xFFFF  }
0x3f: {  	s30 =	simm.s32 $0x3;
	[sflag:s2] =	ssyncpa.u1 $0x1  }
0x40: {  	s31 =	simm.s32 $0x1;
	[sflag:s30] =	ssyncpa.u1 $0x1  }
0x41: {  	[sflag:s31] =	ssyncpa.u1 $0x1  }
0x42: {  	p0 =	sne.s32 s0, $0x0;
	_ =	strace $0x90000047  }
0x43: {  	s0 =	sadd.s32 @!p0 $0x100000, s1;
	[bflag:$0x2] =	sbarrier.arrive $0xFFFF  }
0x44: {  	[sflag:s0] =	ssyncadd.tile.s32 @!p0 $0x1;
	_ =	shalt  }
.Lfunc_end2:
_tile_overlayer_lowered:
.L_overlay_start_2:
0x45: {  	(tag) =	ssettag $0x2  }
0x46: {  	s0 =	rddreg [dreg:$0x0];
	s2 =	stileid.u32  }
0x47: {  	s1 =	rddreg [dreg:$0x1];
	p0 =	sne.s32 s2, $0x0  }
0x48: {  	s3 =	rddreg [dreg:$0x2];
	[bflag:$0x3] =	sbarrier.arrive $0xFFFF;
	s2 =	simm.s32 @!p0 $0x1C01  }
0x49: {  	[timem:s3], [sflag:s2] =	dma.local @!p0 [hbm:s0], s1  }
0x4a: {  	s0 =	simm.s32 @!p0 $0x1  }
0x4b: {  	_ =	swait.ge @!p0 [sflag:s0], s1  }
0x4c: {  	s1 =	ssub.s32 @!p0 $0x0, s1;
	[sflag:s0] =	ssyncset.done @!p0 $0x0  }
0x4d: {  	[sflag:s0] =	ssyncadd.s32 @!p0 s1  }
0x4e: {  	[bflag:$0x3] =	sbarrier.arrive $0xFFFF  }
0x4f: {  	_ =	shalt  }

// kernel: kernel.3.cloned.1.call-start
scs
__scs_entry_jumppad:
0x0: {  	(pc) =	sbr.rel $0x88, $3  }
0x1: {  	(tag) =	ssettag $0x0;
	lr =	simm.s32 $0x1  }
0x2: {  	[smem:$0x3F9F] =	sst lr;
	_ =	strace $0xD0000000  }
0x3: {  	_ = 	snop  }
0x4: {  	_ = 	snop  }
0x5: {  	_ = 	snop  }
0x6: {  	_ = 	snop  }
0x7: {  	_ = 	snop  }
__scs_overlays_trampoline_lowered:
0x8: {  	[smem:$0x3FAE] =	sst s0  }
0x9: {  	[smem:$0x3FAF] =	sst s1  }
0xa: {  	[smem:$0x3FB0] =	sst s2  }
0xb: {  	[smem:$0x3FB1] =	sst s3  }
0xc: {  	[smem:$0x3FB2] =	sst s4  }
0xd: {  	[smem:$0x3FB3] =	sst s5  }
0xe: {  	[smem:$0x3FB4] =	sst s6  }
0xf: {  	[smem:$0x3FB5] =	sst s7  }
0x10: {  	[smem:$0x3FB6] =	sst s8  }
0x11: {  	[smem:$0x3FB7] =	sst s9;
	s0 =	simm.s32 @!p0 $0x0  }
0x12: {  	s1 =	sld [smem:$0x3F9D];
	s0 =	simm.s32 @p0 $0x1  }
0x13: {  	[smem:$0x3FB8] =	sst s0;
	s0 =	simm.s32 @!p1 $0x0  }
0x14: {  	s2 =	sld [smem:$0x3F9C];
	s0 =	simm.s32 @p1 $0x1  }
0x15: {  	[smem:$0x3FB9] =	sst s0;
	s0 =	simm.s32 @!p2 $0x0  }
0x16: {  	s3 =	sld [smem:$0x3FDB];
	s0 =	simm.s32 @p2 $0x1  }
0x17: {  	s4 =	simm.s32 $0x1BF5;
	[smem:$0x3FBB] =	sst s0  }
0x18: {  	s0 =	sld [smem:$0x3F9E];
	_ =	swait.ge [sflag:s4], $0x0  }
0x19: {  	s7 =	sld [smem:$0x3F9F]  }
0x1a: {  	s8 =	sadd.s32 $0xFFFFE003, lr  }
0x1b: {  	s9 =	sadd.s32 $0xFFFFFEF7, lr;
	s5 =	simm.s32 $0xFFFFFFFF;
	p2 =	slt.u32 s8, $0xFFFFF086  }
0x1c: {  	p1 =	slt.u32 s9, $0xF7A;
	s5 =	simm.s32 @!p2 $0x0  }
0x1d: {  	s5 =	simm.s32 @p1 $0x1;
	p0 =	seq.s32 s7, s2  }
0x1e: {  	s7 =	smul.u32 @!p0 $0xF7A, s2;
	p2 =	seq.s32 @!p0 s5, $0x0  }
0x1f: {  	s9 =	smul.u32 $0xF7A, s1;
	s8 =	simm.s32 @!p0 $0x1BF5;
	p2 =	por !p2, p0  }
0x20: {  	[sflag:s8] =	ssyncset.s32 @!p0 $0xFFFFF086;
	s6 =	sadd.s32 @!p0 s3, s7;
	s7 =	simm.s32 @!p0 $0x108  }
0x21: {  	s3 =	sadd.s32 s3, s9;
	s6 =	sadd.s32 @!p0 $0x88, s6;
	s7 =	simm.s32 @p2 $0x1082  }
0x22: {  	[simem:s7], [sflag:s8] =	dma.local @!p0 [hbm:s6], $0xF7A  }
0x23: {  	s9 =	sor.u32 $0xD0000000, s2;
	s6 =	simm.s32 $0x108;
	_ =	swait.ge @!p0 [sflag:s8], $0x0  }
0x24: {  	s3 =	sadd.s32 $0x88, s3;
	s6 =	simm.s32 @!p1 $0x1082;
	[sflag:s4] =	ssyncset.s32 $0xFFFFF086  }
0x25: {  	[simem:s6], [sflag:s4] =	dma.local [hbm:s3], $0xF7A  }
0x26: {  	[smem:$0x3F9F] =	sst s1;
	(tag) =	ssettag s2;
	_ =	strace s9  }
0x27: {  	s1 =	sld [smem:$0x3FAF]  }
0x28: {  	s2 =	sld [smem:$0x3FB0]  }
0x29: {  	s4 =	sld [smem:$0x3FB2]  }
0x2a: {  	p0 =	seq.s32 s5, $0x0;
	s5 =	sld [smem:$0x3FB3]  }
0x2b: {  	s6 =	sld [smem:$0x3FB4]  }
0x2c: {  	s7 =	sld [smem:$0x3FB5]  }
0x2d: {  	s3 =	simm.s32 $0x108;
	s8 =	sld [smem:$0x3FB6]  }
0x2e: {  	s3 =	simm.s32 @!p0 $0x1082;
	s9 =	sld [smem:$0x3FB7]  }
0x2f: {  	lr =	sadd.s32 s0, s3;
	s0 =	sld [smem:$0x3FAE]  }
0x30: {  	s3 =	sld [smem:$0x3FB1]  }
0x31: {  	[smem:$0x3FBA] =	sst s10  }
0x32: {  	s10 =	sld [smem:$0x3FB8];
	_ =	sdelay $0x3  }
0x33: {  	p0 =	seq.s32 s10, $0x1;
	s10 =	sld [smem:$0x3FBA];
	_ =	sdelay $0x3  }
0x34: {  	[smem:$0x3FBA] =	sst s10  }
0x35: {  	s10 =	sld [smem:$0x3FB9];
	_ =	sdelay $0x3  }
0x36: {  	p1 =	seq.s32 s10, $0x1;
	s10 =	sld [smem:$0x3FBA];
	_ =	sdelay $0x3  }
0x37: {  	[smem:$0x3FBA] =	sst s10  }
0x38: {  	s10 =	sld [smem:$0x3FBB]  }
0x39: {  	_ = 	snop;
	(pc) =	sbr.ind lr, $3  }
0x3a: {  	_ = 	snop  }
0x3b: {  	_ = 	snop  }
0x3c: {  	p2 =	seq.s32 s10, $0x1;
	s10 =	sld [smem:$0x3FBA]  }
0x3d: {  	_ =	shalt  }
0x3e: {  	_ =	shalt  }
0x3f: {  	_ =	shalt  }
0x40: {  	_ =	shalt  }
0x41: {  	_ =	shalt  }
0x42: {  	_ =	shalt  }
0x43: {  	_ =	shalt  }
0x44: {  	_ =	shalt  }
0x45: {  	_ =	shalt  }
0x46: {  	_ =	shalt  }
0x47: {  	_ =	shalt  }
0x48: {  	_ =	shalt  }
0x49: {  	_ =	shalt  }
0x4a: {  	_ =	shalt  }
0x4b: {  	_ =	shalt  }
0x4c: {  	_ =	shalt  }
0x4d: {  	_ =	shalt  }
0x4e: {  	_ =	shalt  }
0x4f: {  	_ =	shalt  }
0x50: {  	_ =	shalt  }
0x51: {  	_ =	shalt  }
0x52: {  	_ =	shalt  }
0x53: {  	_ =	shalt  }
0x54: {  	_ =	shalt  }
0x55: {  	_ =	shalt  }
0x56: {  	_ =	shalt  }
0x57: {  	_ =	shalt  }
0x58: {  	_ =	shalt  }
0x59: {  	_ =	shalt  }
0x5a: {  	_ =	shalt  }
0x5b: {  	_ =	shalt  }
0x5c: {  	_ =	shalt  }
0x5d: {  	_ =	shalt  }
0x5e: {  	_ =	shalt  }
0x5f: {  	_ =	shalt  }
0x60: {  	_ =	shalt  }
0x61: {  	_ =	shalt  }
0x62: {  	_ =	shalt  }
0x63: {  	_ =	shalt  }
0x64: {  	_ =	shalt  }
0x65: {  	_ =	shalt  }
0x66: {  	_ =	shalt  }
0x67: {  	_ =	shalt  }
0x68: {  	_ =	shalt  }
0x69: {  	_ =	shalt  }
0x6a: {  	_ =	shalt  }
0x6b: {  	_ =	shalt  }
0x6c: {  	_ =	shalt  }
0x6d: {  	_ =	shalt  }
0x6e: {  	_ =	shalt  }
0x6f: {  	_ =	shalt  }
0x70: {  	_ =	shalt  }
0x71: {  	_ =	shalt  }
0x72: {  	_ =	shalt  }
0x73: {  	_ =	shalt  }
0x74: {  	_ =	shalt  }
0x75: {  	_ =	shalt  }
0x76: {  	_ =	shalt  }
0x77: {  	_ =	shalt  }
0x78: {  	_ =	shalt  }
0x79: {  	_ =	shalt  }
0x7a: {  	_ =	shalt  }
0x7b: {  	_ =	shalt  }
0x7c: {  	_ =	shalt  }
0x7d: {  	_ =	shalt  }
0x7e: {  	_ =	shalt  }
0x7f: {  	_ =	shalt  }
0x80: {  	_ =	shalt  }
0x81: {  	_ =	shalt  }
0x82: {  	_ =	shalt  }
0x83: {  	_ =	shalt  }
0x84: {  	_ =	shalt  }
0x85: {  	_ =	shalt  }
0x86: {  	_ =	shalt  }
0x87: {  	_ =	shalt  }
.Lfunc_end0:
.L_simem_size_0:
called_computation.1_lowered:
.L_overlay_start_0:
0x88: {  	s2 =	sld [smem:$0x3FD9]  }
0x89: {  	s3 =	sld [smem:$0x3FFE];
	_ =	sdelay $0x1  }
0x8a: {  	s1 =	srdreg.scid  }
0x8b: {  	s0 =	sand.u32 $0x1, s1  }
0x8c: {  	s17 =	sshll.u32 s0, $0xA;
	s2 =	sadd.s32 s3, s2  }
0x8d: {  	s2 =	sadd.s32 s2, s17  }
0x8e: {  	[smem:$0x3FC6] =	sst s2  }
0x8f: {  	_ = 	snop  }
0x90: {  	s2 =	sld [smem:$0x3FC8]  }
0x91: {  	s18 =	sld [smem:$0x3FD0];
	(tm) =	ssettm $0x1  }
0x92: {  	s4 =	sld [smem:$0x3FFB];
	_ =	sdelay $0x3  }
0x93: {  	_ =	strace s4  }
0x94: {  	s4 =	sld [smem:$0x3FFC];
	_ =	sdelay $0x3  }
0x95: {  	_ =	strace s4  }
0x96: {  	s4 =	sld [smem:$0x3FFD];
	_ =	sdelay $0x3  }
0x97: {  	_ =	strace s4  }
0x98: {  	_ =	strace $0x8FFFFFFF  }
0x99: {  	s19 =	sld [smem:$0x3FDB];
	_ =	sdelay $0x1  }
0x9a: {  	s5 =	simm.s32 $_scs_section_size  }
0x9b: {  	s6 =	simm.s32 $_size__tile_overlayer_lowered;
	s7 =	simm.s32 $_tile_overlayer_lowered  }
0x9c: {  	s22 =	simm.s32 $0x1BFF;
	s21 =	sshll.u32 s7, $0x1;
	s4 =	sadd.s32 s5, s19  }
0x9d: {  	s8 =	simm.s32 $0x0;
	s20 =	sshll.u32 s6, $0x1;
	s6 =	sadd.s32 s21, s4  }
0x9e: {  	[timem:s8], [sflag:s22] =	dma.local [hbm:s6], s20  }
0x9f: {  	_ =	swait.ge [sflag:s22], s20  }
0xa0: {  	s5 =	ssub.s32 $0x0, s20;
	[sflag:s22] =	ssyncset.done $0x0  }
0xa1: {  	[sflag:s22] =	ssyncadd.s32 s5;
	_ =	sdelay $0x1  }
0xa2: {  	s23 =	simm.s32 $0x1B8B  }
0xa3: {  	_ =	swait.ge [sflag:s23], $0x1  }
0xa4: {  	[sflag:s23] =	ssyncset.done $0x0  }
0xa5: {  	s25 =	simm.s32 $0x1B8E;
	s24 =	sld [smem:$0x3FFE];
	[sflag:s23] =	ssyncadd.s32 $0xFFFFFFFF  }
0xa6: {  	s26 =	simm.s32 $execute0_lowered;
	[smem:$0x3FD2] =	sst s25  }
0xa7: {  	s6 =	sshll.u32 s26, $0x1;
	_ =	strace $0x80000049;
	[dreg:$0x1] =	wrdreg $0xFFFFFFFF  }
0xa8: {  	s28 =	simm.s32 $_size_execute0_lowered;
	s4 =	sadd.s32 s4, s6;
	[dreg:$0x0] =	wrdreg $0x0  }
0xa9: {  	s6 =	sshll.u32 s28, $0x1;
	[dreg:$0x2] =	wrdreg s4  }
0xaa: {  	[dreg:$0x3] =	wrdreg s6  }
0xab: {  	[dreg:$0x4] =	wrdreg $0xC0  }
0xac: {  	_ =	task [dreg:s8], $0x5FFFF  }
0xad: {  	[dreg:$0x1] =	wrdreg $0xFFFFFFFF  }
0xae: {  	[dreg:$0x0] =	wrdreg $0x60  }
0xaf: {  	[dreg:$0x2] =	wrdreg s24  }
0xb0: {  	[dreg:$0x3] =	wrdreg s2  }
0xb1: {  	[dreg:$0x4] =	wrdreg s18  }
0xb2: {  	[dreg:$0x5] =	wrdreg $0x9  }
0xb3: {  	_ =	task.clear_ibuf [dreg:s8], $0x6FFFF;
	_ =	strace $0x90000049  }
0xb4: {  	s29 =	simm.s32 $0x9;
	_ =	strace $0x8000004B  }
0xb5: {  	_ =	swait.ge [sflag:s29], $0x1  }
0xb6: {  	[sflag:s29] =	ssyncadd.s32 $0xFFFFFFFF  }
0xb7: {  	_ =	strace $0x9000004B  }
0xb8: {  	_ =	sfence  }
0xb9: {  	s30 =	sld [smem:$0x0];
	_ =	sdelay $0x2  }
0xba: {  	s31 =	sshll.u32 s1, $0xD;
	s1 =	sshrl.u32 s1, $0x2  }
0xbb: {  	s3 =	sand.u32 $0x4000, s31;
	s1 =	sadd.s32 s1, s30  }
0xbc: {  	s0 =	sor.u32 s3, s0;
	s1 =	sshll.u32 s1, $0x11  }
0xbd: {  	s0 =	sor.u32 s1, s0  }
0xbe: {  	s0 =	sadd.s32 $0x8F2B, s0  }
0xbf: {  	[sflag:s0] =	ssyncadd.remote.s32 $0x1  }
0xc0: {  	_ =	sfence.sel $0xFFFF  }
0xc1: {  	[dreg:$0x0] =	wrdreg $0xFFFFFFFF;
	(pc) =	sbr.abs _section_cstart, $3  }
0xc2: {  	[dreg:$0x1] =	wrdreg $0xFFFFFFFF  }
0xc3: {  	_ =	task.clear_ibuf [dreg:s8], $0x2FFFF;
	_ =	strace $0x9FFFFFFF  }
0xc4: {  	(tm) =	ssettm $0x7FFFFFFF  }
0xc5: {  	_ =	shalt  }
tec
execute0_lowered:
.L_overlay_start_1:
0x0: {  	(tag) =	ssettag $0x1  }
0x1: {  	s5 =	rddreg [dreg:$0x0]  }
0x2: {  	s2 =	rddreg [dreg:$0x1];
	s0 =	srdreg.scid  }
0x3: {  	s3 =	rddreg [dreg:$0x2];
	s1 =	stileid.u32;
	s4 =	simm.s32 $0x0  }
0x4: {  	s9 =	simm.s32 $0x80;
	s10 =	simm.s32 $0x400;
	s11 =	simm.s32 $0x100  }
0x5: {  	s12 =	simm.s32 $0x0;
	s6 =	sand.u32 $0x1, s0;
	s0 =	rddreg [dreg:$0x3]  }
0x6: {  	s7 =	sshll.u32 s1, $0x5;
	s8 =	sshll.u32 s6, $0x4;
	s6 =	ssub.s32 $0x2, s6  }
0x7: {  	[smem:$0x7FF] =	sst s4;
	s7 =	sor.u32 s8, s7;
	s30 =	sshrl.u32 s6, $0x1  }
0x8: {  	_ =	strace $0x8000004A;
	s5 =	sadd.s32 s5, s7;
	s31 =	ssub.s32 s6, s30  }
0x9: {  	s8 =	simm.s32 $0x1;
	s6 =	sadd.s32 $0x400, s5;
	s7 =	smax.u32 s31, $0x1  }
.LBB2_1:
0xa: {  	[tilespmem:s4], [sflag:$0x1] =	stream.linear.gather [hbm4b:s6+s4], $0x80, $0x38;
	[tilespmem:$0xC100] =	vst v63  }
0xb: {  	_ =	swait.ge [sflag:s8], $0x80  }
0xc: {  	[sflag:s8] =	ssyncset.done $0x0  }
0xd: {  	[sflag:s8] =	ssyncadd.s32 $0xFFFFFF80  }
0xe: {  	[tilespmem:s9], [sflag:$0x1] =	stream.linear.gather [hbm4b:s5+s4], $0x80, $0x38;
	[tilespmem:$0xC100] =	vst v63  }
0xf: {  	_ =	swait.ge [sflag:s8], $0x80  }
0x10: {  	[sflag:s8] =	ssyncset.done $0x0  }
0x11: {  	s14 =	simm.s32 $0xFFFFFFFF;
	s13 =	simm.s32 $0x0;
	[sflag:s8] =	ssyncadd.s32 $0xFFFFFF80  }
.LBB2_2:
0x12: {  	s15 =	sshra.s32 s13, $0x2  }
0x13: {  	v0 =	vld [tilespmem:s15+$0x0];
	_ =	sdelay $0x4  }
0x14: {  	v1 =	vld [tilespmem:s15+$0x80];
	(v2sf) =	vpush v0, $0x0;
	_ =	sdelay $0x4  }
0x15: {  	(v2sf) =	vpush v1, $0x0;
	_ =	sdelay $0x9  }
0x16: {  	s15 =	spop (v2sf)  }
0x17: {  	p0 =	seq.s32 s15, s14  }
0x18: {  	s14 =	sshrl.u32 @!p0 s15, $0x3  }
0x19: {  	s16 =	sshll.u32 @!p0 s15, $0x7;
	s14 =	smul.u32 @!p0 $0x60000, s14  }
0x1a: {  	s16 =	sand.u32 @!p0 $0x380, s16  }
0x1b: {  	s22 =	spop (v2sf);
	s14 =	sor.u32 @!p0 s16, s14  }
0x1c: {  	s17 =	simm.s32 @!p0 $0x80;
	s18 =	simm.s32 @!p0 $0x400;
	s14 =	sshrl.u32 @!p0 s14, $0x3  }
0x1d: {  	s19 =	simm.s32 @!p0 $0x100;
	s23 =	sshrl.u32 s22, $0x3;
	s14 =	sadd.s32 @!p0 s2, s14  }
0x1e: {  	[tilespmem:s19], [sflag:$0x1] =	stream.strided.gather @!p0 [hbm4b:s14+s17], $0xC000, s18, s17, $0x38;
	[tilespmem:$0xC100] =	vst v63  }
0x1f: {  	s16 =	sshll.u32 s22, $0x7;
	s14 =	smul.u32 $0x60000, s23  }
0x20: {  	s16 =	sand.u32 $0x380, s16;
	s17 =	simm.s32 @!p0 $0x1  }
0x21: {  	_ =	swait.ge @!p0 [sflag:s17], $0xC000;
	s14 =	sor.u32 s16, s14  }
0x22: {  	[sflag:s17] =	ssyncset.done @!p0 $0x0;
	s14 =	sshrl.u32 s14, $0x3  }
0x23: {  	[sflag:s17] =	ssyncadd.s32 @!p0 $0xFFFF4000;
	s14 =	sadd.s32 s3, s14  }
0x24: {  	[hbm4b:s14+s9] =	stream.strided.scatter [tilespmem:s11], [sflag:$0x1], $0xC000, s10, s9, $0x38;
	[tilespmem:$0xC100] =	vst v63  }
0x25: {  	_ =	swait.ge [sflag:s8], $0xC000  }
0x26: {  	(v2sf) =	vpush v0, $0x1;
	_ =	sdelay $0x4  }
0x27: {  	(v2sf) =	vpush v1, $0x1;
	_ =	sdelay $0x9  }
0x28: {  	s14 =	spop (v2sf)  }
0x29: {  	p0 =	seq.s32 s14, s15  }
0x2a: {  	s15 =	sshrl.u32 @!p0 s14, $0x3  }
0x2b: {  	s16 =	sshll.u32 @!p0 s14, $0x7;
	s15 =	smul.u32 @!p0 $0x60000, s15  }
0x2c: {  	[sflag:s8] =	ssyncset.done $0x0;
	s16 =	sand.u32 @!p0 $0x380, s16  }
0x2d: {  	[sflag:s8] =	ssyncadd.s32 $0xFFFF4000;
	s24 =	spop (v2sf);
	s15 =	sor.u32 @!p0 s16, s15  }
0x2e: {  	s17 =	simm.s32 @!p0 $0x80;
	s18 =	simm.s32 @!p0 $0x400;
	s15 =	sshrl.u32 @!p0 s15, $0x3  }
0x2f: {  	s19 =	simm.s32 @!p0 $0x100;
	s25 =	sshrl.u32 s24, $0x3;
	s15 =	sadd.s32 @!p0 s2, s15  }
0x30: {  	[tilespmem:s19], [sflag:$0x1] =	stream.strided.gather @!p0 [hbm4b:s15+s17], $0xC000, s18, s17, $0x38;
	[tilespmem:$0xC100] =	vst v63  }
0x31: {  	s16 =	sshll.u32 s24, $0x7;
	s15 =	smul.u32 $0x60000, s25  }
0x32: {  	s16 =	sand.u32 $0x380, s16;
	s17 =	simm.s32 @!p0 $0x1  }
0x33: {  	_ =	swait.ge @!p0 [sflag:s17], $0xC000;
	s15 =	sor.u32 s16, s15  }
0x34: {  	[sflag:s17] =	ssyncset.done @!p0 $0x0;
	s15 =	sshrl.u32 s15, $0x3  }
0x35: {  	[sflag:s17] =	ssyncadd.s32 @!p0 $0xFFFF4000;
	s15 =	sadd.s32 s3, s15  }
0x36: {  	[hbm4b:s15+s9] =	stream.strided.scatter [tilespmem:s11], [sflag:$0x1], $0xC000, s10, s9, $0x38;
	[tilespmem:$0xC100] =	vst v63  }
0x37: {  	_ =	swait.ge [sflag:s8], $0xC000  }
0x38: {  	(v2sf) =	vpush v0, $0x2;
	_ =	sdelay $0x4  }
0x39: {  	(v2sf) =	vpush v1, $0x2;
	_ =	sdelay $0x9  }
0x3a: {  	s15 =	spop (v2sf)  }
0x3b: {  	p0 =	seq.s32 s15, s14  }
0x3c: {  	s14 =	sshrl.u32 @!p0 s15, $0x3  }
0x3d: {  	s16 =	sshll.u32 @!p0 s15, $0x7;
	s14 =	smul.u32 @!p0 $0x60000, s14  }
0x3e: {  	[sflag:s8] =	ssyncset.done $0x0;
	s16 =	sand.u32 @!p0 $0x380, s16  }
0x3f: {  	[sflag:s8] =	ssyncadd.s32 $0xFFFF4000;
	s26 =	spop (v2sf);
	s14 =	sor.u32 @!p0 s16, s14  }
0x40: {  	s17 =	simm.s32 @!p0 $0x80;
	s18 =	simm.s32 @!p0 $0x400;
	s14 =	sshrl.u32 @!p0 s14, $0x3  }
0x41: {  	s19 =	simm.s32 @!p0 $0x100;
	s28 =	sshrl.u32 s26, $0x3;
	s14 =	sadd.s32 @!p0 s2, s14  }
0x42: {  	[tilespmem:s19], [sflag:$0x1] =	stream.strided.gather @!p0 [hbm4b:s14+s17], $0xC000, s18, s17, $0x38;
	[tilespmem:$0xC100] =	vst v63  }
0x43: {  	s16 =	sshll.u32 s26, $0x7;
	s14 =	smul.u32 $0x60000, s28  }
0x44: {  	s16 =	sand.u32 $0x380, s16;
	s17 =	simm.s32 @!p0 $0x1  }
0x45: {  	_ =	swait.ge @!p0 [sflag:s17], $0xC000;
	s14 =	sor.u32 s16, s14  }
0x46: {  	[sflag:s17] =	ssyncset.done @!p0 $0x0;
	s14 =	sshrl.u32 s14, $0x3  }
0x47: {  	[sflag:s17] =	ssyncadd.s32 @!p0 $0xFFFF4000;
	s14 =	sadd.s32 s3, s14  }
0x48: {  	[hbm4b:s14+s9] =	stream.strided.scatter [tilespmem:s11], [sflag:$0x1], $0xC000, s10, s9, $0x38;
	[tilespmem:$0xC100] =	vst v63  }
0x49: {  	_ =	swait.ge [sflag:s8], $0xC000  }
0x4a: {  	(v2sf) =	vpush v0, $0x3;
	_ =	sdelay $0x4  }
0x4b: {  	(v2sf) =	vpush v1, $0x3;
	_ =	sdelay $0x9  }
0x4c: {  	s14 =	spop (v2sf)  }
0x4d: {  	p0 =	seq.s32 s14, s15  }
0x4e: {  	s15 =	sshrl.u32 @!p0 s14, $0x3  }
0x4f: {  	s16 =	sshll.u32 @!p0 s14, $0x7;
	s15 =	smul.u32 @!p0 $0x60000, s15  }
0x50: {  	[sflag:s8] =	ssyncset.done $0x0;
	s16 =	sand.u32 @!p0 $0x380, s16  }
0x51: {  	[sflag:s8] =	ssyncadd.s32 $0xFFFF4000;
	s29 =	spop (v2sf);
	s15 =	sor.u32 @!p0 s16, s15  }
0x52: {  	s17 =	simm.s32 @!p0 $0x80;
	s18 =	simm.s32 @!p0 $0x400;
	s15 =	sshrl.u32 @!p0 s15, $0x3  }
0x53: {  	s19 =	simm.s32 @!p0 $0x100;
	s30 =	sshrl.u32 s29, $0x3;
	s15 =	sadd.s32 @!p0 s2, s15  }
0x54: {  	[tilespmem:s19], [sflag:$0x1] =	stream.strided.gather @!p0 [hbm4b:s15+s17], $0xC000, s18, s17, $0x38;
	[tilespmem:$0xC100] =	vst v63  }
0x55: {  	s16 =	sshll.u32 s29, $0x7;
	s15 =	smul.u32 $0x60000, s30  }
0x56: {  	s16 =	sand.u32 $0x380, s16;
	s17 =	simm.s32 @!p0 $0x1  }
0x57: {  	_ =	swait.ge @!p0 [sflag:s17], $0xC000;
	s15 =	sor.u32 s16, s15  }
0x58: {  	[sflag:s17] =	ssyncset.done @!p0 $0x0;
	s15 =	sshrl.u32 s15, $0x3  }
0x59: {  	[sflag:s17] =	ssyncadd.s32 @!p0 $0xFFFF4000;
	s15 =	sadd.s32 s3, s15  }
0x5a: {  	[hbm4b:s15+s9] =	stream.strided.scatter [tilespmem:s11], [sflag:$0x1], $0xC000, s10, s9, $0x38;
	[tilespmem:$0xC100] =	vst v63  }
0x5b: {  	_ =	swait.ge [sflag:s8], $0xC000  }
0x5c: {  	(v2sf) =	vpush v0, $0x4;
	_ =	sdelay $0x5  }
0x5d: {  	(v2sf) =	vpush v1, $0x4;
	_ =	sdelay $0x8  }
0x5e: {  	s15 =	spop (v2sf)  }
0x5f: {  	p0 =	seq.s32 s15, s14  }
0x60: {  	s14 =	sshrl.u32 @!p0 s15, $0x3  }
0x61: {  	s16 =	sshll.u32 @!p0 s15, $0x7;
	s14 =	smul.u32 @!p0 $0x60000, s14  }
0x62: {  	[sflag:s8] =	ssyncset.done $0x0;
	s16 =	sand.u32 @!p0 $0x380, s16  }
0x63: {  	[sflag:s8] =	ssyncadd.s32 $0xFFFF4000;
	s14 =	sor.u32 @!p0 s16, s14  }
0x64: {  	s31 =	spop (v2sf);
	s17 =	simm.s32 @!p0 $0x80;
	s14 =	sshrl.u32 @!p0 s14, $0x3  }
0x65: {  	s18 =	simm.s32 @!p0 $0x400;
	s19 =	simm.s32 @!p0 $0x100;
	s14 =	sadd.s32 @!p0 s2, s14  }
0x66: {  	[tilespmem:s19], [sflag:$0x1] =	stream.strided.gather @!p0 [hbm4b:s14+s17], $0xC000, s18, s17, $0x38;
	[tilespmem:$0xC100] =	vst v63  }
0x67: {  	s19 =	sshrl.u32 s31, $0x3  }
0x68: {  	s16 =	sshll.u32 s31, $0x7;
	s14 =	smul.u32 $0x60000, s19  }
0x69: {  	s16 =	sand.u32 $0x380, s16;
	s17 =	simm.s32 @!p0 $0x1  }
0x6a: {  	_ =	swait.ge @!p0 [sflag:s17], $0xC000;
	s14 =	sor.u32 s16, s14  }
0x6b: {  	[sflag:s17] =	ssyncset.done @!p0 $0x0;
	s14 =	sshrl.u32 s14, $0x3  }
0x6c: {  	[sflag:s17] =	ssyncadd.s32 @!p0 $0xFFFF4000;
	s14 =	sadd.s32 s3, s14  }
0x6d: {  	[hbm4b:s14+s9] =	stream.strided.scatter [tilespmem:s11], [sflag:$0x1], $0xC000, s10, s9, $0x38;
	[tilespmem:$0xC100] =	vst v63  }
0x6e: {  	_ =	swait.ge [sflag:s8], $0xC000  }
0x6f: {  	(v2sf) =	vpush v0, $0x5;
	_ =	sdelay $0x4  }
0x70: {  	(v2sf) =	vpush v1, $0x5;
	_ =	sdelay $0x9  }
0x71: {  	s14 =	spop (v2sf)  }
0x72: {  	p0 =	seq.s32 s14, s15  }
0x73: {  	s15 =	sshrl.u32 @!p0 s14, $0x3  }
0x74: {  	s16 =	sshll.u32 @!p0 s14, $0x7;
	s15 =	smul.u32 @!p0 $0x60000, s15  }
0x75: {  	[sflag:s8] =	ssyncset.done $0x0;
	s16 =	sand.u32 @!p0 $0x380, s16  }
0x76: {  	[sflag:s8] =	ssyncadd.s32 $0xFFFF4000;
	s20 =	spop (v2sf);
	s15 =	sor.u32 @!p0 s16, s15  }
0x77: {  	s17 =	simm.s32 @!p0 $0x80;
	s18 =	simm.s32 @!p0 $0x400;
	s15 =	sshrl.u32 @!p0 s15, $0x3  }
0x78: {  	s19 =	simm.s32 @!p0 $0x100;
	s21 =	sshrl.u32 s20, $0x3;
	s15 =	sadd.s32 @!p0 s2, s15  }
0x79: {  	[tilespmem:s19], [sflag:$0x1] =	stream.strided.gather @!p0 [hbm4b:s15+s17], $0xC000, s18, s17, $0x38;
	[tilespmem:$0xC100] =	vst v63  }
0x7a: {  	s16 =	sshll.u32 s20, $0x7;
	s15 =	smul.u32 $0x60000, s21  }
0x7b: {  	s16 =	sand.u32 $0x380, s16;
	s17 =	simm.s32 @!p0 $0x1  }
0x7c: {  	_ =	swait.ge @!p0 [sflag:s17], $0xC000;
	s15 =	sor.u32 s16, s15  }
0x7d: {  	[sflag:s17] =	ssyncset.done @!p0 $0x0;
	s15 =	sshrl.u32 s15, $0x3  }
0x7e: {  	[sflag:s17] =	ssyncadd.s32 @!p0 $0xFFFF4000;
	s15 =	sadd.s32 s3, s15  }
0x7f: {  	[hbm4b:s15+s9] =	stream.strided.scatter [tilespmem:s11], [sflag:$0x1], $0xC000, s10, s9, $0x38;
	[tilespmem:$0xC100] =	vst v63  }
0x80: {  	_ =	swait.ge [sflag:s8], $0xC000  }
0x81: {  	(v2sf) =	vpush v0, $0x6;
	_ =	sdelay $0x4  }
0x82: {  	(v2sf) =	vpush v1, $0x6;
	_ =	sdelay $0x9  }
0x83: {  	s15 =	spop (v2sf)  }
0x84: {  	p0 =	seq.s32 s15, s14  }
0x85: {  	s14 =	sshrl.u32 @!p0 s15, $0x3  }
0x86: {  	s16 =	sshll.u32 @!p0 s15, $0x7;
	s14 =	smul.u32 @!p0 $0x60000, s14  }
0x87: {  	[sflag:s8] =	ssyncset.done $0x0;
	s16 =	sand.u32 @!p0 $0x380, s16  }
0x88: {  	[sflag:s8] =	ssyncadd.s32 $0xFFFF4000;
	s22 =	spop (v2sf);
	s14 =	sor.u32 @!p0 s16, s14  }
0x89: {  	s17 =	simm.s32 @!p0 $0x80;
	s18 =	simm.s32 @!p0 $0x400;
	s14 =	sshrl.u32 @!p0 s14, $0x3  }
0x8a: {  	s19 =	simm.s32 @!p0 $0x100;
	s23 =	sshrl.u32 s22, $0x3;
	s14 =	sadd.s32 @!p0 s2, s14  }
0x8b: {  	[tilespmem:s19], [sflag:$0x1] =	stream.strided.gather @!p0 [hbm4b:s14+s17], $0xC000, s18, s17, $0x38;
	[tilespmem:$0xC100] =	vst v63  }
0x8c: {  	s16 =	sshll.u32 s22, $0x7;
	s14 =	smul.u32 $0x60000, s23  }
0x8d: {  	s16 =	sand.u32 $0x380, s16;
	s17 =	simm.s32 @!p0 $0x1  }
0x8e: {  	_ =	swait.ge @!p0 [sflag:s17], $0xC000;
	s14 =	sor.u32 s16, s14  }
0x8f: {  	[sflag:s17] =	ssyncset.done @!p0 $0x0;
	s14 =	sshrl.u32 s14, $0x3  }
0x90: {  	[sflag:s17] =	ssyncadd.s32 @!p0 $0xFFFF4000;
	s14 =	sadd.s32 s3, s14  }
0x91: {  	[hbm4b:s14+s9] =	stream.strided.scatter [tilespmem:s11], [sflag:$0x1], $0xC000, s10, s9, $0x38;
	[tilespmem:$0xC100] =	vst v63  }
0x92: {  	_ =	swait.ge [sflag:s8], $0xC000  }
0x93: {  	(v2sf) =	vpush v0, $0x7;
	_ =	sdelay $0x4  }
0x94: {  	(v2sf) =	vpush v1, $0x7;
	_ =	sdelay $0x9  }
0x95: {  	s14 =	spop (v2sf)  }
0x96: {  	p0 =	seq.s32 s14, s15  }
0x97: {  	s15 =	sshrl.u32 @!p0 s14, $0x3  }
0x98: {  	s16 =	sshll.u32 @!p0 s14, $0x7;
	s15 =	smul.u32 @!p0 $0x60000, s15  }
0x99: {  	[sflag:s8] =	ssyncset.done $0x0;
	s16 =	sand.u32 @!p0 $0x380, s16  }
0x9a: {  	[sflag:s8] =	ssyncadd.s32 $0xFFFF4000;
	s24 =	spop (v2sf);
	s15 =	sor.u32 @!p0 s16, s15  }
0x9b: {  	s17 =	simm.s32 @!p0 $0x80;
	s18 =	simm.s32 @!p0 $0x400;
	s15 =	sshrl.u32 @!p0 s15, $0x3  }
0x9c: {  	s19 =	simm.s32 @!p0 $0x100;
	s25 =	sshrl.u32 s24, $0x3;
	s15 =	sadd.s32 @!p0 s2, s15  }
0x9d: {  	[tilespmem:s19], [sflag:$0x1] =	stream.strided.gather @!p0 [hbm4b:s15+s17], $0xC000, s18, s17, $0x38;
	[tilespmem:$0xC100] =	vst v63  }
0x9e: {  	s16 =	sshll.u32 s24, $0x7;
	s15 =	smul.u32 $0x60000, s25  }
0x9f: {  	s16 =	sand.u32 $0x380, s16;
	s17 =	simm.s32 @!p0 $0x1  }
0xa0: {  	_ =	swait.ge @!p0 [sflag:s17], $0xC000;
	s15 =	sor.u32 s16, s15  }
0xa1: {  	[sflag:s17] =	ssyncset.done @!p0 $0x0;
	s15 =	sshrl.u32 s15, $0x3  }
0xa2: {  	[sflag:s17] =	ssyncadd.s32 @!p0 $0xFFFF4000;
	s15 =	sadd.s32 s3, s15  }
0xa3: {  	[hbm4b:s15+s9] =	stream.strided.scatter [tilespmem:s11], [sflag:$0x1], $0xC000, s10, s9, $0x38;
	[tilespmem:$0xC100] =	vst v63  }
0xa4: {  	_ =	swait.ge [sflag:s8], $0xC000  }
0xa5: {  	(v2sf) =	vpush v0, $0x8;
	_ =	sdelay $0x4  }
0xa6: {  	(v2sf) =	vpush v1, $0x8;
	_ =	sdelay $0x9  }
0xa7: {  	s15 =	spop (v2sf)  }
0xa8: {  	p0 =	seq.s32 s15, s14  }
0xa9: {  	s14 =	sshrl.u32 @!p0 s15, $0x3  }
0xaa: {  	s16 =	sshll.u32 @!p0 s15, $0x7;
	s14 =	smul.u32 @!p0 $0x60000, s14  }
0xab: {  	[sflag:s8] =	ssyncset.done $0x0;
	s16 =	sand.u32 @!p0 $0x380, s16  }
0xac: {  	[sflag:s8] =	ssyncadd.s32 $0xFFFF4000;
	s26 =	spop (v2sf);
	s14 =	sor.u32 @!p0 s16, s14  }
0xad: {  	s17 =	simm.s32 @!p0 $0x80;
	s18 =	simm.s32 @!p0 $0x400;
	s14 =	sshrl.u32 @!p0 s14, $0x3  }
0xae: {  	s19 =	simm.s32 @!p0 $0x100;
	s28 =	sshrl.u32 s26, $0x3;
	s14 =	sadd.s32 @!p0 s2, s14  }
0xaf: {  	[tilespmem:s19], [sflag:$0x1] =	stream.strided.gather @!p0 [hbm4b:s14+s17], $0xC000, s18, s17, $0x38;
	[tilespmem:$0xC100] =	vst v63  }
0xb0: {  	s16 =	sshll.u32 s26, $0x7;
	s14 =	smul.u32 $0x60000, s28  }
0xb1: {  	s16 =	sand.u32 $0x380, s16;
	s17 =	simm.s32 @!p0 $0x1  }
0xb2: {  	_ =	swait.ge @!p0 [sflag:s17], $0xC000;
	s14 =	sor.u32 s16, s14  }
0xb3: {  	[sflag:s17] =	ssyncset.done @!p0 $0x0;
	s14 =	sshrl.u32 s14, $0x3  }
0xb4: {  	[sflag:s17] =	ssyncadd.s32 @!p0 $0xFFFF4000;
	s14 =	sadd.s32 s3, s14  }
0xb5: {  	[hbm4b:s14+s9] =	stream.strided.scatter [tilespmem:s11], [sflag:$0x1], $0xC000, s10, s9, $0x38;
	[tilespmem:$0xC100] =	vst v63  }
0xb6: {  	_ =	swait.ge [sflag:s8], $0xC000  }
0xb7: {  	(v2sf) =	vpush v0, $0x9;
	_ =	sdelay $0x4  }
0xb8: {  	(v2sf) =	vpush v1, $0x9;
	_ =	sdelay $0x9  }
0xb9: {  	s14 =	spop (v2sf)  }
0xba: {  	p0 =	seq.s32 s14, s15  }
0xbb: {  	s15 =	sshrl.u32 @!p0 s14, $0x3  }
0xbc: {  	s16 =	sshll.u32 @!p0 s14, $0x7;
	s15 =	smul.u32 @!p0 $0x60000, s15  }
0xbd: {  	[sflag:s8] =	ssyncset.done $0x0;
	s16 =	sand.u32 @!p0 $0x380, s16  }
0xbe: {  	[sflag:s8] =	ssyncadd.s32 $0xFFFF4000;
	s29 =	spop (v2sf);
	s15 =	sor.u32 @!p0 s16, s15  }
0xbf: {  	s17 =	simm.s32 @!p0 $0x80;
	s18 =	simm.s32 @!p0 $0x400;
	s15 =	sshrl.u32 @!p0 s15, $0x3  }
0xc0: {  	s19 =	simm.s32 @!p0 $0x100;
	s30 =	sshrl.u32 s29, $0x3;
	s15 =	sadd.s32 @!p0 s2, s15  }
0xc1: {  	[tilespmem:s19], [sflag:$0x1] =	stream.strided.gather @!p0 [hbm4b:s15+s17], $0xC000, s18, s17, $0x38;
	[tilespmem:$0xC100] =	vst v63  }
0xc2: {  	s16 =	sshll.u32 s29, $0x7;
	s15 =	smul.u32 $0x60000, s30  }
0xc3: {  	s16 =	sand.u32 $0x380, s16;
	s17 =	simm.s32 @!p0 $0x1  }
0xc4: {  	_ =	swait.ge @!p0 [sflag:s17], $0xC000;
	s15 =	sor.u32 s16, s15  }
0xc5: {  	[sflag:s17] =	ssyncset.done @!p0 $0x0;
	s15 =	sshrl.u32 s15, $0x3  }
0xc6: {  	[sflag:s17] =	ssyncadd.s32 @!p0 $0xFFFF4000;
	s15 =	sadd.s32 s3, s15  }
0xc7: {  	[hbm4b:s15+s9] =	stream.strided.scatter [tilespmem:s11], [sflag:$0x1], $0xC000, s10, s9, $0x38;
	[tilespmem:$0xC100] =	vst v63  }
0xc8: {  	_ =	swait.ge [sflag:s8], $0xC000  }
0xc9: {  	(v2sf) =	vpush v0, $0xA;
	_ =	sdelay $0x4  }
0xca: {  	(v2sf) =	vpush v1, $0xA;
	_ =	sdelay $0x9  }
0xcb: {  	s15 =	spop (v2sf)  }
0xcc: {  	p0 =	seq.s32 s15, s14  }
0xcd: {  	s14 =	sshrl.u32 @!p0 s15, $0x3  }
0xce: {  	s16 =	sshll.u32 @!p0 s15, $0x7;
	s14 =	smul.u32 @!p0 $0x60000, s14  }
0xcf: {  	[sflag:s8] =	ssyncset.done $0x0;
	s16 =	sand.u32 @!p0 $0x380, s16  }
0xd0: {  	[sflag:s8] =	ssyncadd.s32 $0xFFFF4000;
	s31 =	spop (v2sf);
	s14 =	sor.u32 @!p0 s16, s14  }
0xd1: {  	s17 =	simm.s32 @!p0 $0x80;
	s18 =	simm.s32 @!p0 $0x400;
	s14 =	sshrl.u32 @!p0 s14, $0x3  }
0xd2: {  	s19 =	simm.s32 @!p0 $0x100;
	s20 =	sshrl.u32 s31, $0x3;
	s14 =	sadd.s32 @!p0 s2, s14  }
0xd3: {  	[tilespmem:s19], [sflag:$0x1] =	stream.strided.gather @!p0 [hbm4b:s14+s17], $0xC000, s18, s17, $0x38;
	[tilespmem:$0xC100] =	vst v63  }
0xd4: {  	s16 =	sshll.u32 s31, $0x7;
	s14 =	smul.u32 $0x60000, s20  }
0xd5: {  	s16 =	sand.u32 $0x380, s16;
	s17 =	simm.s32 @!p0 $0x1  }
0xd6: {  	_ =	swait.ge @!p0 [sflag:s17], $0xC000;
	s14 =	sor.u32 s16, s14  }
0xd7: {  	[sflag:s17] =	ssyncset.done @!p0 $0x0;
	s14 =	sshrl.u32 s14, $0x3  }
0xd8: {  	[sflag:s17] =	ssyncadd.s32 @!p0 $0xFFFF4000;
	s14 =	sadd.s32 s3, s14  }
0xd9: {  	[hbm4b:s14+s9] =	stream.strided.scatter [tilespmem:s11], [sflag:$0x1], $0xC000, s10, s9, $0x38;
	[tilespmem:$0xC100] =	vst v63  }
0xda: {  	_ =	swait.ge [sflag:s8], $0xC000  }
0xdb: {  	(v2sf) =	vpush v0, $0xB;
	_ =	sdelay $0x4  }
0xdc: {  	(v2sf) =	vpush v1, $0xB;
	_ =	sdelay $0x9  }
0xdd: {  	s14 =	spop (v2sf)  }
0xde: {  	p0 =	seq.s32 s14, s15  }
0xdf: {  	s15 =	sshrl.u32 @!p0 s14, $0x3  }
0xe0: {  	s16 =	sshll.u32 @!p0 s14, $0x7;
	s15 =	smul.u32 @!p0 $0x60000, s15  }
0xe1: {  	[sflag:s8] =	ssyncset.done $0x0;
	s16 =	sand.u32 @!p0 $0x380, s16  }
0xe2: {  	[sflag:s8] =	ssyncadd.s32 $0xFFFF4000;
	s21 =	spop (v2sf);
	s15 =	sor.u32 @!p0 s16, s15  }
0xe3: {  	s17 =	simm.s32 @!p0 $0x80;
	s18 =	simm.s32 @!p0 $0x400;
	s15 =	sshrl.u32 @!p0 s15, $0x3  }
0xe4: {  	s19 =	simm.s32 @!p0 $0x100;
	s22 =	sshrl.u32 s21, $0x3;
	s15 =	sadd.s32 @!p0 s2, s15  }
0xe5: {  	[tilespmem:s19], [sflag:$0x1] =	stream.strided.gather @!p0 [hbm4b:s15+s17], $0xC000, s18, s17, $0x38;
	[tilespmem:$0xC100] =	vst v63  }
0xe6: {  	s16 =	sshll.u32 s21, $0x7;
	s15 =	smul.u32 $0x60000, s22  }
0xe7: {  	s16 =	sand.u32 $0x380, s16;
	s17 =	simm.s32 @!p0 $0x1  }
0xe8: {  	_ =	swait.ge @!p0 [sflag:s17], $0xC000;
	s15 =	sor.u32 s16, s15  }
0xe9: {  	[sflag:s17] =	ssyncset.done @!p0 $0x0;
	s15 =	sshrl.u32 s15, $0x3  }
0xea: {  	[sflag:s17] =	ssyncadd.s32 @!p0 $0xFFFF4000;
	s15 =	sadd.s32 s3, s15  }
0xeb: {  	[hbm4b:s15+s9] =	stream.strided.scatter [tilespmem:s11], [sflag:$0x1], $0xC000, s10, s9, $0x38;
	[tilespmem:$0xC100] =	vst v63  }
0xec: {  	_ =	swait.ge [sflag:s8], $0xC000  }
0xed: {  	(v2sf) =	vpush v0, $0xC;
	_ =	sdelay $0x4  }
0xee: {  	(v2sf) =	vpush v1, $0xC;
	_ =	sdelay $0x9  }
0xef: {  	s15 =	spop (v2sf)  }
0xf0: {  	p0 =	seq.s32 s15, s14  }
0xf1: {  	s14 =	sshrl.u32 @!p0 s15, $0x3  }
0xf2: {  	s16 =	sshll.u32 @!p0 s15, $0x7;
	s14 =	smul.u32 @!p0 $0x60000, s14  }
0xf3: {  	[sflag:s8] =	ssyncset.done $0x0;
	s16 =	sand.u32 @!p0 $0x380, s16  }
0xf4: {  	[sflag:s8] =	ssyncadd.s32 $0xFFFF4000;
	s23 =	spop (v2sf);
	s14 =	sor.u32 @!p0 s16, s14  }
0xf5: {  	s17 =	simm.s32 @!p0 $0x80;
	s18 =	simm.s32 @!p0 $0x400;
	s14 =	sshrl.u32 @!p0 s14, $0x3  }
0xf6: {  	s19 =	simm.s32 @!p0 $0x100;
	s24 =	sshrl.u32 s23, $0x3;
	s14 =	sadd.s32 @!p0 s2, s14  }
0xf7: {  	[tilespmem:s19], [sflag:$0x1] =	stream.strided.gather @!p0 [hbm4b:s14+s17], $0xC000, s18, s17, $0x38;
	[tilespmem:$0xC100] =	vst v63  }
0xf8: {  	s16 =	sshll.u32 s23, $0x7;
	s14 =	smul.u32 $0x60000, s24  }
0xf9: {  	s16 =	sand.u32 $0x380, s16;
	s17 =	simm.s32 @!p0 $0x1  }
0xfa: {  	_ =	swait.ge @!p0 [sflag:s17], $0xC000;
	s14 =	sor.u32 s16, s14  }
0xfb: {  	[sflag:s17] =	ssyncset.done @!p0 $0x0;
	s14 =	sshrl.u32 s14, $0x3  }
0xfc: {  	[sflag:s17] =	ssyncadd.s32 @!p0 $0xFFFF4000;
	s14 =	sadd.s32 s3, s14  }
0xfd: {  	[hbm4b:s14+s9] =	stream.strided.scatter [tilespmem:s11], [sflag:$0x1], $0xC000, s10, s9, $0x38;
	[tilespmem:$0xC100] =	vst v63  }
0xfe: {  	_ =	swait.ge [sflag:s8], $0xC000  }
0xff: {  	(v2sf) =	vpush v0, $0xD;
	_ =	sdelay $0x4  }
0x100: {  	(v2sf) =	vpush v1, $0xD;
	_ =	sdelay $0x9  }
0x101: {  	s14 =	spop (v2sf)  }
0x102: {  	p0 =	seq.s32 s14, s15  }
0x103: {  	s15 =	sshrl.u32 @!p0 s14, $0x3  }
0x104: {  	s16 =	sshll.u32 @!p0 s14, $0x7;
	s15 =	smul.u32 @!p0 $0x60000, s15  }
0x105: {  	[sflag:s8] =	ssyncset.done $0x0;
	s16 =	sand.u32 @!p0 $0x380, s16  }
0x106: {  	[sflag:s8] =	ssyncadd.s32 $0xFFFF4000;
	s25 =	spop (v2sf);
	s15 =	sor.u32 @!p0 s16, s15  }
0x107: {  	s17 =	simm.s32 @!p0 $0x80;
	s18 =	simm.s32 @!p0 $0x400;
	s15 =	sshrl.u32 @!p0 s15, $0x3  }
0x108: {  	s19 =	simm.s32 @!p0 $0x100;
	s26 =	sshrl.u32 s25, $0x3;
	s15 =	sadd.s32 @!p0 s2, s15  }
0x109: {  	[tilespmem:s19], [sflag:$0x1] =	stream.strided.gather @!p0 [hbm4b:s15+s17], $0xC000, s18, s17, $0x38;
	[tilespmem:$0xC100] =	vst v63  }
0x10a: {  	s16 =	sshll.u32 s25, $0x7;
	s15 =	smul.u32 $0x60000, s26  }
0x10b: {  	s16 =	sand.u32 $0x380, s16;
	s17 =	simm.s32 @!p0 $0x1  }
0x10c: {  	_ =	swait.ge @!p0 [sflag:s17], $0xC000;
	s15 =	sor.u32 s16, s15  }
0x10d: {  	[sflag:s17] =	ssyncset.done @!p0 $0x0;
	s15 =	sshrl.u32 s15, $0x3  }
0x10e: {  	[sflag:s17] =	ssyncadd.s32 @!p0 $0xFFFF4000;
	s15 =	sadd.s32 s3, s15  }
0x10f: {  	[hbm4b:s15+s9] =	stream.strided.scatter [tilespmem:s11], [sflag:$0x1], $0xC000, s10, s9, $0x38;
	[tilespmem:$0xC100] =	vst v63  }
0x110: {  	_ =	swait.ge [sflag:s8], $0xC000  }
0x111: {  	(v2sf) =	vpush v0, $0xE;
	_ =	sdelay $0x4  }
0x112: {  	(v2sf) =	vpush v1, $0xE;
	_ =	sdelay $0x9  }
0x113: {  	s15 =	spop (v2sf)  }
0x114: {  	p0 =	seq.s32 s15, s14  }
0x115: {  	s14 =	sshrl.u32 @!p0 s15, $0x3  }
0x116: {  	s16 =	sshll.u32 @!p0 s15, $0x7;
	s14 =	smul.u32 @!p0 $0x60000, s14  }
0x117: {  	[sflag:s8] =	ssyncset.done $0x0;
	s16 =	sand.u32 @!p0 $0x380, s16  }
0x118: {  	[sflag:s8] =	ssyncadd.s32 $0xFFFF4000;
	s28 =	spop (v2sf);
	s14 =	sor.u32 @!p0 s16, s14  }
0x119: {  	s17 =	simm.s32 @!p0 $0x80;
	s18 =	simm.s32 @!p0 $0x400;
	s14 =	sshrl.u32 @!p0 s14, $0x3  }
0x11a: {  	s19 =	simm.s32 @!p0 $0x100;
	s29 =	sshrl.u32 s28, $0x3;
	s14 =	sadd.s32 @!p0 s2, s14  }
0x11b: {  	[tilespmem:s19], [sflag:$0x1] =	stream.strided.gather @!p0 [hbm4b:s14+s17], $0xC000, s18, s17, $0x38;
	[tilespmem:$0xC100] =	vst v63  }
0x11c: {  	s16 =	sshll.u32 s28, $0x7;
	s14 =	smul.u32 $0x60000, s29  }
0x11d: {  	s16 =	sand.u32 $0x380, s16;
	s17 =	simm.s32 @!p0 $0x1  }
0x11e: {  	_ =	swait.ge @!p0 [sflag:s17], $0xC000;
	s14 =	sor.u32 s16, s14  }
0x11f: {  	[sflag:s17] =	ssyncset.done @!p0 $0x0;
	s14 =	sshrl.u32 s14, $0x3  }
0x120: {  	[sflag:s17] =	ssyncadd.s32 @!p0 $0xFFFF4000;
	s14 =	sadd.s32 s3, s14  }
0x121: {  	[hbm4b:s14+s9] =	stream.strided.scatter [tilespmem:s11], [sflag:$0x1], $0xC000, s10, s9, $0x38;
	[tilespmem:$0xC100] =	vst v63  }
0x122: {  	_ =	swait.ge [sflag:s8], $0xC000  }
0x123: {  	(v2sf) =	vpush v0, $0xF;
	_ =	sdelay $0x4  }
0x124: {  	(v2sf) =	vpush v1, $0xF;
	_ =	sdelay $0x9  }
0x125: {  	s14 =	spop (v2sf)  }
0x126: {  	p0 =	seq.s32 s14, s15  }
0x127: {  	s15 =	sshrl.u32 @!p0 s14, $0x3  }
0x128: {  	s16 =	sshll.u32 @!p0 s14, $0x7;
	s15 =	smul.u32 @!p0 $0x60000, s15  }
0x129: {  	[sflag:s8] =	ssyncset.done $0x0;
	s16 =	sand.u32 @!p0 $0x380, s16  }
0x12a: {  	[sflag:s8] =	ssyncadd.s32 $0xFFFF4000;
	s30 =	spop (v2sf);
	s15 =	sor.u32 @!p0 s16, s15  }
0x12b: {  	s17 =	simm.s32 @!p0 $0x80;
	s18 =	simm.s32 @!p0 $0x400;
	s15 =	sshrl.u32 @!p0 s15, $0x3  }
0x12c: {  	s19 =	simm.s32 @!p0 $0x100;
	s31 =	sshrl.u32 s30, $0x3;
	s15 =	sadd.s32 @!p0 s2, s15  }
0x12d: {  	[tilespmem:s19], [sflag:$0x1] =	stream.strided.gather @!p0 [hbm4b:s15+s17], $0xC000, s18, s17, $0x38;
	[tilespmem:$0xC100] =	vst v63  }
0x12e: {  	s16 =	sshll.u32 s30, $0x7;
	s15 =	smul.u32 $0x60000, s31;
	s17 =	simm.s32 @!p0 $0x1  }
0x12f: {  	s16 =	sand.u32 $0x380, s16;
	_ =	swait.ge @!p0 [sflag:s17], $0xC000  }
0x130: {  	s13 =	sadd.s32 $0x40, s13;
	s15 =	sor.u32 s16, s15;
	[sflag:s17] =	ssyncset.done @!p0 $0x0  }
0x131: {  	s15 =	sshrl.u32 s15, $0x3;
	[sflag:s17] =	ssyncadd.s32 @!p0 $0xFFFF4000;
	p0 =	sne.s32 s13, $0x200  }
.Ltmp0:
0x132: {  	s15 =	sadd.s32 s3, s15;
	(pc) =	sbr.rel @p0 .LBB2_2-.Ltmp0, $4  }
0x133: {  	[hbm4b:s15+s9] =	stream.strided.scatter [tilespmem:s11], [sflag:$0x1], $0xC000, s10, s9, $0x38;
	[tilespmem:$0xC100] =	vst v63  }
0x134: {  	_ =	swait.ge [sflag:s8], $0xC000  }
0x135: {  	[sflag:s8] =	ssyncset.done $0x0  }
0x136: {  	[sflag:s8] =	ssyncadd.s32 $0xFFFF4000  }
0x137: {  	s12 =	sadd.s32 $0x1, s12  }
0x138: {  	p0 =	sne.s32 s12, s7  }
.Ltmp1:
0x139: {  	_ = 	snop;
	(pc) =	sbr.rel @p0 .LBB2_1-.Ltmp1, $1  }
0x13a: {  	_ =	sdelay $0x3  }
0x13b: {  	_ =	sfence.sel $0x180000  }
0x13c: {  	[bflag:$0x0] =	sbarrier.arrive $0xFFFF  }
0x13d: {  	p0 =	sne.s32 s1, $0x0;
	_ =	strace $0x9000004A  }
0x13e: {  	s0 =	sadd.s32 @!p0 $0x100000, s0;
	[bflag:$0x2] =	sbarrier.arrive $0xFFFF  }
0x13f: {  	[sflag:s0] =	ssyncadd.tile.s32 @!p0 $0x1;
	_ =	shalt  }
.Lfunc_end2:
_tile_overlayer_lowered:
.L_overlay_start_2:
0x140: {  	(tag) =	ssettag $0x2  }
0x141: {  	s0 =	rddreg [dreg:$0x0];
	s2 =	stileid.u32  }
0x142: {  	s1 =	rddreg [dreg:$0x1];
	p0 =	sne.s32 s2, $0x0  }
0x143: {  	s3 =	rddreg [dreg:$0x2];
	[bflag:$0x3] =	sbarrier.arrive $0xFFFF;
	s2 =	simm.s32 @!p0 $0x1C01  }
0x144: {  	[timem:s3], [sflag:s2] =	dma.local @!p0 [hbm:s0], s1  }
0x145: {  	s0 =	simm.s32 @!p0 $0x1  }
0x146: {  	_ =	swait.ge @!p0 [sflag:s0], s1  }
0x147: {  	s1 =	ssub.s32 @!p0 $0x0, s1;
	[sflag:s0] =	ssyncset.done @!p0 $0x0  }
0x148: {  	[sflag:s0] =	ssyncadd.s32 @!p0 s1  }
0x149: {  	[bflag:$0x3] =	sbarrier.arrive $0xFFFF  }
0x14a: {  	_ =	shalt  }

</sc_bundles>
